<compile_context>
chip_gen: v7x
topology: tpu7x:2x2x1
jax: 0.10.2.dev20260603
libtpu: 0.0.44.dev20260713+nightly
codegen_flags: <defaults>
</compile_context>

<pallas_src>
import jax
import jax.numpy as jnp
from jax import lax
from jax.experimental import pallas as pl
from jax.experimental.pallas import tpu as pltpu
from jax.experimental.pallas import tpu_sc as plsc

_N = 160000
_D = 256
_S = 10000

_NC = 2
_NS = 16
_SCH = 192
_RPT = 9984
_NFULL = _RPT // _SCH
_TAILBASE = _NS * _RPT
_WT = 10
_WROWS = _S // _WT
_OB = 40
_NWCH = _S // _OB


def _dense_e_body(wt_ref, x_ref, e_ref):
    key = jnp.dot(x_ref[...], wt_ref[...], preferred_element_type=jnp.float32)
    e_ref[...] = jnp.exp(key)


def _dense_xe_body(wt_ref, x_ref, xe_ref):
    x = x_ref[...]
    key = jnp.dot(x, wt_ref[...], preferred_element_type=jnp.float32)
    xe_ref[...] = x * jnp.exp(key)


def _dense_stage(body, x, wt):
    n, d = x.shape
    blk = 8000
    return pl.pallas_call(
        body,
        grid=(n // blk,),
        in_specs=[
            pl.BlockSpec((d, d), lambda i: (0, 0)),
            pl.BlockSpec((blk, d), lambda i: (i, 0)),
        ],
        out_specs=pl.BlockSpec((blk, d), lambda i: (i, 0)),
        out_shape=jax.ShapeDtypeStruct((n, d), jnp.float32),
    )(wt, x)


def _sc_zero(s, z_hbm, acc_sh):
    @pl.when(s < _WT)
    def _():
        pltpu.sync_copy(z_hbm, acc_sh.at[pl.ds(s * _WROWS, _WROWS)])


def _sc_accumulate(s, col, src_hbm, cl_hbm, acc_sh, idx_v, chbuf,
                   sem_i, sem_v, sem_a):
    row_base = s * _RPT

    def _in_copies(chunk, b, start):
        r0 = row_base + chunk * _SCH
        srcs = (cl_hbm.at[pl.ds(r0, 128)],
                cl_hbm.at[pl.ds(r0 + 128, _SCH - 128)],
                src_hbm.at[pl.ds(r0, _SCH), pl.ds(col, 128)])
        dsts = (idx_v.at[b, 0], idx_v.at[b, 1, pl.ds(0, _SCH - 128)],
                chbuf.at[b])
        for src, dst, sem in zip(srcs, dsts, (sem_i, sem_i, sem_v)):
            d = pltpu.make_async_copy(src, dst, sem)
            if start:
                d.start()
            else:
                d.wait()

    def _adds(b, start):
        for j, (o, ln) in enumerate(((0, 128), (128, _SCH - 128))):
            d = pltpu.make_async_copy(
                chbuf.at[b, pl.ds(o, ln)],
                acc_sh.at[idx_v.at[b, j, pl.ds(0, ln)]],
                sem_a)
            if start:
                d.start(add=True)
            else:
                d.wait()

    _in_copies(0, 0, True)

    def _chunk(k, _):
        b = lax.rem(k, 2)
        _in_copies(k, b, False)

        @pl.when(k >= 1)
        def _():
            _adds(1 - b, False)

        @pl.when(k + 1 < _NFULL)
        def _():
            _in_copies(k + 1, 1 - b, True)

        _adds(b, True)
        return _

    lax.fori_loop(0, _NFULL, _chunk, None)
    _adds(lax.rem(_NFULL - 1, 2), False)

    @pl.when(s == 0)
    def _():
        pltpu.sync_copy(cl_hbm.at[pl.ds(_TAILBASE, 128)], idx_v.at[0, 0])
        pltpu.sync_copy(cl_hbm.at[pl.ds(_TAILBASE + 128, 128)],
                        idx_v.at[0, 1])
        for j in range(2):
            pltpu.sync_copy(
                src_hbm.at[pl.ds(_TAILBASE + j * 128, 128), pl.ds(col, 128)],
                chbuf.at[j, pl.ds(0, 128)])
        pltpu.sync_copy(chbuf.at[0, pl.ds(0, 128)],
                        acc_sh.at[idx_v.at[0, 0]], add=True)
        pltpu.sync_copy(chbuf.at[1, pl.ds(0, 128)],
                        acc_sh.at[idx_v.at[0, 1]], add=True)


def _sc_den_body(e_hbm, cl_hbm, z_hbm, den_hbm,
                 acc_sh, idx_v, chbuf, sem_i, sem_v, sem_a):
    c = lax.axis_index("c")
    s = lax.axis_index("s")
    col = c * 128
    _sc_zero(s, z_hbm, acc_sh)
    plsc.subcore_barrier()
    _sc_accumulate(s, col, e_hbm, cl_hbm, acc_sh, idx_v, chbuf,
                   sem_i, sem_v, sem_a)
    plsc.subcore_barrier()

    @pl.when(s < _WT)
    def _():
        pltpu.sync_copy(acc_sh.at[pl.ds(s * _WROWS, _WROWS)],
                        den_hbm.at[pl.ds(s * _WROWS, _WROWS), pl.ds(col, 128)])


def _div_body(n_ref, d_ref, o_ref):
    o_ref[...] = n_ref[...] / jnp.maximum(d_ref[...], 1e-30)


def _div_stage(num, den):
    blk = 2000
    return pl.pallas_call(
        _div_body,
        grid=(_S // blk,),
        in_specs=[pl.BlockSpec((blk, _D), lambda i: (i, 0))] * 2,
        out_specs=pl.BlockSpec((blk, _D), lambda i: (i, 0)),
        out_shape=jax.ShapeDtypeStruct((_S, _D), jnp.float32),
    )(num, den)


_SC_MESH = plsc.VectorSubcoreMesh(
    core_axis_name="c", subcore_axis_name="s",
    num_cores=_NC, num_subcores=_NS)

_SC_SCRATCH = [
    pltpu.VMEM_SHARED((_S, 128), jnp.float32),
    pltpu.VMEM((2, 2, 128), jnp.int32),
    pltpu.VMEM((2, _SCH, 128), jnp.float32),
    pltpu.SemaphoreType.DMA,
    pltpu.SemaphoreType.DMA,
    pltpu.SemaphoreType.DMA,
]

_sc_den = pl.kernel(
    _sc_den_body,
    out_type=jax.ShapeDtypeStruct((_S, _D), jnp.float32),
    mesh=_SC_MESH,
    scratch_types=_SC_SCRATCH,
)

def kernel(x, cluster, W):
    x = x.astype(jnp.float32)
    cl = cluster.astype(jnp.int32)
    wt = W.astype(jnp.float32).T
    z = jnp.zeros((_WROWS, 128), jnp.float32)
    e = _dense_stage(_dense_e_body, x, wt)
    den = _sc_den(e, cl, z)
    xe = _dense_stage(_dense_xe_body, x, wt)
    num = _sc_den(xe, cl, z)
    return _div_stage(num, den)

# --- scband reference (transcript-rebuilt; emitter-appended) ---
"""Pipeline reference for scband-att-pooling-53128745451730 (READ-ONLY COPY).

The authoritative reference and input builder live on the scoring server;
editing this copy changes nothing except your own understanding.
"""

import jax, jax.numpy as jnp
import numpy as np

N = 160000
D = 256
NUM_SEGMENTS = 10000


def setup_inputs(seed: int = 0) -> dict:
    key = jax.random.key(seed)
    k1, k2, k3 = jax.random.split(key, 3)
    x = jax.random.normal(k1, (N, D), dtype=jnp.float32)
    cluster = jnp.sort(jax.random.randint(k2, (N,), 0, NUM_SEGMENTS, dtype=jnp.int64))
    # Linear(d, d, bias=False) weight, torch convention: key = x @ W.T
    W = jax.random.normal(k3, (D, D), dtype=jnp.float32) * (1.0 / np.sqrt(D))
    return {"x": x, "cluster": cluster, "W": W}


def reference(x, cluster, W):
    # key = self.lin(x)
    key = x @ W.T
    # weight = scatter_softmax(key, cluster, dim=0)
    seg_max = jax.ops.segment_max(key, cluster, num_segments=NUM_SEGMENTS)
    # guard empty segments (segment_max yields -inf there); gathered entries are always valid
    key_shifted = key - seg_max[cluster]
    e = jnp.exp(key_shifted)
    denom = jax.ops.segment_sum(e, cluster, num_segments=NUM_SEGMENTS)
    weight = e / denom[cluster]
    # return scatter_add(x * weight, cluster, dim=0)
    out = jax.ops.segment_sum(x * weight, cluster, num_segments=NUM_SEGMENTS)
    return out

if __name__ == "__main__":
    import jax
    _d = setup_inputs()
    print(jax.jit(kernel)(*tuple(_d.values())))

</pallas_src>

<mosaic_0001>
#map = affine_map<(d0, d1) -> (0, 0)>
#map1 = affine_map<(d0, d1) -> (0)>
module attributes {stable_mosaic.version = 14 : i64} {
  func.func @_sc_den_body(%arg0: i32, %arg1: i32, %arg2: memref<160000x256xf32, #tpu.memory_space<hbm>>, %arg3: memref<160000xi32, #tpu.memory_space<hbm>>, %arg4: memref<1000x128xf32, #tpu.memory_space<hbm>>, %arg5: memref<10000x256xf32, #tpu.memory_space<hbm>>, %arg6: memref<10000x128xf32, #tpu.memory_space<vmem_shared>>, %arg7: memref<2x2x128xi32, #tpu.memory_space<vmem>>, %arg8: memref<2x192x128xf32, #tpu.memory_space<vmem>>, %arg9: memref<!tpu.dma_semaphore, #tpu.memory_space<semaphore_mem>>, %arg10: memref<!tpu.dma_semaphore, #tpu.memory_space<semaphore_mem>>, %arg11: memref<!tpu.dma_semaphore, #tpu.memory_space<semaphore_mem>>) attributes {dimension_semantics = [#tpu.dimension_semantics<core_parallel>, #tpu.dimension_semantics<subcore_parallel>], iteration_bounds = array<i64: 2, 16>, scalar_prefetch = 0 : i64, scratch_operands = 6 : i64, tpu.core_type = #tpu.core_type<sc_vector_subcore>, window_params = [{transform_indices = #map}, {transform_indices = #map1}, {transform_indices = #map}, {transform_indices = #map}]} {
    %mul3A = arith.constant 128 : i32
    %mul3A_0 = arith.muli %arg0, %mul3A : i32
    %lt3A = arith.constant 10 : i32
    %lt3A_1 = arith.cmpi slt, %arg1, %lt3A : i32
    %convert_element_type3A = arith.extui %lt3A_1 : i1 to i32
    %cond3A = arith.constant 0 : i32
    %cond3A_2 = arith.cmpi ne, %convert_element_type3A, %cond3A : i32
    scf.if %cond3A_2 {
      %mul3A_75 = arith.constant 1000 : i32
      %mul3A_76 = arith.muli %arg1, %mul3A_75 : i32
      "tpu.region"() ({
        %run_scoped3A = tpu.sem_alloc : memref<!tpu.dma_semaphore, #tpu.memory_space<semaphore_mem>>
        %dma_start3A_77 = arith.constant 0 : i32
        %dma_start3A_78 = tpu.memref_slice %arg6[%mul3A_76, %dma_start3A_77] : memref<10000x128xf32, #tpu.memory_space<vmem_shared>> -> memref<1000x128xf32, #tpu.memory_space<vmem_shared>>
        tpu.enqueue_dma source(%arg4 : memref<1000x128xf32, #tpu.memory_space<hbm>>) target(%dma_start3A_78 : memref<1000x128xf32, #tpu.memory_space<vmem_shared>>) target_semaphore(%run_scoped3A : memref<!tpu.dma_semaphore, #tpu.memory_space<semaphore_mem>>)
        %dma_wait3A_79 = arith.constant 0 : i32
        %dma_wait3A_80 = tpu.memref_slice %arg6[%mul3A_76, %dma_wait3A_79] : memref<10000x128xf32, #tpu.memory_space<vmem_shared>> -> memref<1000x128xf32, #tpu.memory_space<vmem_shared>>
        tpu.wait_dma2 semaphore(%run_scoped3A : memref<!tpu.dma_semaphore, #tpu.memory_space<semaphore_mem>>) src(%arg4 : memref<1000x128xf32, #tpu.memory_space<hbm>>) dst(%dma_wait3A_80 : memref<1000x128xf32, #tpu.memory_space<vmem_shared>>)
        tpu.yield
      }) : () -> ()
    } else {
    }
    %barrier3A = arith.constant 0 : index
    tpu.barrier barrier_id(%barrier3A)
    %mul3A_3 = arith.constant 9984 : i32
    %mul3A_4 = arith.muli %arg1, %mul3A_3 : i32
    %add3A = arith.constant 0 : i32
    %add3A_5 = arith.addi %mul3A_4, %add3A : i32
    %add3A_6 = arith.constant 128 : i32
    %add3A_7 = arith.addi %add3A_5, %add3A_6 : i32
    %dma_start3A = arith.constant 0 : i32
    %dma_start3A_8 = arith.constant 0 : i32
    %dma_start3A_9 = arith.constant 0 : i32
    %dma_start3A_10 = tpu.memref_slice %arg7[%dma_start3A, %dma_start3A_8, %dma_start3A_9] : memref<2x2x128xi32, #tpu.memory_space<vmem>> -> memref<1x1x128xi32, #tpu.memory_space<vmem>>
    %dma_start3A_11 = tpu.memref_squeeze %dma_start3A_10 : memref<1x1x128xi32, #tpu.memory_space<vmem>> -> memref<128xi32, #tpu.memory_space<vmem>>
    %dma_start3A_12 = tpu.memref_slice %arg3[%add3A_5] : memref<160000xi32, #tpu.memory_space<hbm>> -> memref<128xi32, #tpu.memory_space<hbm>>
    %dma_start3A_13 = arith.constant 0 : i32
    %dma_start3A_14 = tpu.memref_slice %arg7[%dma_start3A, %dma_start3A_8, %dma_start3A_13] : memref<2x2x128xi32, #tpu.memory_space<vmem>> -> memref<1x1x128xi32, #tpu.memory_space<vmem>>
    %dma_start3A_15 = tpu.memref_squeeze %dma_start3A_14 : memref<1x1x128xi32, #tpu.memory_space<vmem>> -> memref<128xi32, #tpu.memory_space<vmem>>
    %dma_start3A_16 = tpu.memref_slice %arg3[%add3A_5] : memref<160000xi32, #tpu.memory_space<hbm>> -> memref<128xi32, #tpu.memory_space<hbm>>
    tpu.enqueue_dma source(%dma_start3A_16 : memref<128xi32, #tpu.memory_space<hbm>>) target(%dma_start3A_15 : memref<128xi32, #tpu.memory_space<vmem>>) target_semaphore(%arg9 : memref<!tpu.dma_semaphore, #tpu.memory_space<semaphore_mem>>)
    %dma_start3A_17 = arith.constant 0 : i32
    %dma_start3A_18 = arith.constant 1 : i32
    %dma_start3A_19 = arith.constant 0 : i32
    %dma_start3A_20 = tpu.memref_slice %arg7[%dma_start3A_17, %dma_start3A_18, %dma_start3A_19] : memref<2x2x128xi32, #tpu.memory_space<vmem>> -> memref<1x1x64xi32, #tpu.memory_space<vmem>>
    %dma_start3A_21 = tpu.memref_squeeze %dma_start3A_20 : memref<1x1x64xi32, #tpu.memory_space<vmem>> -> memref<64xi32, #tpu.memory_space<vmem>>
    %dma_start3A_22 = tpu.memref_slice %arg3[%add3A_7] : memref<160000xi32, #tpu.memory_space<hbm>> -> memref<64xi32, #tpu.memory_space<hbm>>
    %dma_start3A_23 = arith.constant 0 : i32
    %dma_start3A_24 = tpu.memref_slice %arg7[%dma_start3A_17, %dma_start3A_18, %dma_start3A_23] : memref<2x2x128xi32, #tpu.memory_space<vmem>> -> memref<1x1x64xi32, #tpu.memory_space<vmem>>
    %dma_start3A_25 = tpu.memref_squeeze %dma_start3A_24 : memref<1x1x64xi32, #tpu.memory_space<vmem>> -> memref<64xi32, #tpu.memory_space<vmem>>
    %dma_start3A_26 = tpu.memref_slice %arg3[%add3A_7] : memref<160000xi32, #tpu.memory_space<hbm>> -> memref<64xi32, #tpu.memory_space<hbm>>
    tpu.enqueue_dma source(%dma_start3A_26 : memref<64xi32, #tpu.memory_space<hbm>>) target(%dma_start3A_25 : memref<64xi32, #tpu.memory_space<vmem>>) target_semaphore(%arg9 : memref<!tpu.dma_semaphore, #tpu.memory_space<semaphore_mem>>)
    %dma_start3A_27 = arith.constant 0 : i32
    %dma_start3A_28 = arith.constant 0 : i32
    %dma_start3A_29 = arith.constant 0 : i32
    %dma_start3A_30 = tpu.memref_slice %arg8[%dma_start3A_27, %dma_start3A_28, %dma_start3A_29] : memref<2x192x128xf32, #tpu.memory_space<vmem>> -> memref<1x192x128xf32, #tpu.memory_space<vmem>>
    %dma_start3A_31 = tpu.memref_squeeze %dma_start3A_30 : memref<1x192x128xf32, #tpu.memory_space<vmem>> -> memref<192x128xf32, #tpu.memory_space<vmem>>
    %dma_start3A_32 = tpu.memref_slice %arg2[%add3A_5, %mul3A_0] : memref<160000x256xf32, #tpu.memory_space<hbm>> -> memref<192x128xf32, #tpu.memory_space<hbm>>
    %dma_start3A_33 = arith.constant 0 : i32
    %dma_start3A_34 = arith.constant 0 : i32
    %dma_start3A_35 = tpu.memref_slice %arg8[%dma_start3A_27, %dma_start3A_33, %dma_start3A_34] : memref<2x192x128xf32, #tpu.memory_space<vmem>> -> memref<1x192x128xf32, #tpu.memory_space<vmem>>
    %dma_start3A_36 = tpu.memref_squeeze %dma_start3A_35 : memref<1x192x128xf32, #tpu.memory_space<vmem>> -> memref<192x128xf32, #tpu.memory_space<vmem>>
    %dma_start3A_37 = tpu.memref_slice %arg2[%add3A_5, %mul3A_0] : memref<160000x256xf32, #tpu.memory_space<hbm>> -> memref<192x128xf32, #tpu.memory_space<hbm>>
    tpu.enqueue_dma source(%dma_start3A_37 : memref<192x128xf32, #tpu.memory_space<hbm>>) target(%dma_start3A_36 : memref<192x128xf32, #tpu.memory_space<vmem>>) target_semaphore(%arg10 : memref<!tpu.dma_semaphore, #tpu.memory_space<semaphore_mem>>)
    %scan3A = arith.constant 0 : i32
    %scan3A_38 = arith.constant 52 : i32
    %scan3A_39 = arith.addi %scan3A, %scan3A_38 : i32
    %scan3A_40 = arith.constant 1 : i32
    scf.for %scan3A_75 = %scan3A to %scan3A_39 step %scan3A_40  : i32 {
      %rem3A_76 = arith.constant 2 : i32
      %rem3A_77 = arith.remsi %scan3A_75, %rem3A_76 : i32
      %mul3A_78 = arith.constant 192 : i32
      %mul3A_79 = arith.muli %scan3A_75, %mul3A_78 : i32
      %add3A_80 = arith.addi %mul3A_4, %mul3A_79 : i32
      %add3A_81 = arith.constant 128 : i32
      %add3A_82 = arith.addi %add3A_80, %add3A_81 : i32
      %dma_wait3A_83 = arith.constant 0 : i32
      %dma_wait3A_84 = arith.constant 0 : i32
      %dma_wait3A_85 = tpu.memref_slice %arg7[%rem3A_77, %dma_wait3A_83, %dma_wait3A_84] : memref<2x2x128xi32, #tpu.memory_space<vmem>> -> memref<1x1x128xi32, #tpu.memory_space<vmem>>
      %dma_wait3A_86 = tpu.memref_squeeze %dma_wait3A_85 : memref<1x1x128xi32, #tpu.memory_space<vmem>> -> memref<128xi32, #tpu.memory_space<vmem>>
      %dma_wait3A_87 = tpu.memref_slice %arg3[%add3A_80] : memref<160000xi32, #tpu.memory_space<hbm>> -> memref<128xi32, #tpu.memory_space<hbm>>
      %dma_wait3A_88 = arith.constant 0 : i32
      %dma_wait3A_89 = tpu.memref_slice %arg7[%rem3A_77, %dma_wait3A_83, %dma_wait3A_88] : memref<2x2x128xi32, #tpu.memory_space<vmem>> -> memref<1x1x128xi32, #tpu.memory_space<vmem>>
      %dma_wait3A_90 = tpu.memref_squeeze %dma_wait3A_89 : memref<1x1x128xi32, #tpu.memory_space<vmem>> -> memref<128xi32, #tpu.memory_space<vmem>>
      %dma_wait3A_91 = tpu.memref_slice %arg3[%add3A_80] : memref<160000xi32, #tpu.memory_space<hbm>> -> memref<128xi32, #tpu.memory_space<hbm>>
      tpu.wait_dma2 semaphore(%arg9 : memref<!tpu.dma_semaphore, #tpu.memory_space<semaphore_mem>>) src(%dma_wait3A_91 : memref<128xi32, #tpu.memory_space<hbm>>) dst(%dma_wait3A_90 : memref<128xi32, #tpu.memory_space<vmem>>)
      %dma_wait3A_92 = arith.constant 1 : i32
      %dma_wait3A_93 = arith.constant 0 : i32
      %dma_wait3A_94 = tpu.memref_slice %arg7[%rem3A_77, %dma_wait3A_92, %dma_wait3A_93] : memref<2x2x128xi32, #tpu.memory_space<vmem>> -> memref<1x1x64xi32, #tpu.memory_space<vmem>>
      %dma_wait3A_95 = tpu.memref_squeeze %dma_wait3A_94 : memref<1x1x64xi32, #tpu.memory_space<vmem>> -> memref<64xi32, #tpu.memory_space<vmem>>
      %dma_wait3A_96 = tpu.memref_slice %arg3[%add3A_82] : memref<160000xi32, #tpu.memory_space<hbm>> -> memref<64xi32, #tpu.memory_space<hbm>>
      %dma_wait3A_97 = arith.constant 0 : i32
      %dma_wait3A_98 = tpu.memref_slice %arg7[%rem3A_77, %dma_wait3A_92, %dma_wait3A_97] : memref<2x2x128xi32, #tpu.memory_space<vmem>> -> memref<1x1x64xi32, #tpu.memory_space<vmem>>
      %dma_wait3A_99 = tpu.memref_squeeze %dma_wait3A_98 : memref<1x1x64xi32, #tpu.memory_space<vmem>> -> memref<64xi32, #tpu.memory_space<vmem>>
      %dma_wait3A_100 = tpu.memref_slice %arg3[%add3A_82] : memref<160000xi32, #tpu.memory_space<hbm>> -> memref<64xi32, #tpu.memory_space<hbm>>
      tpu.wait_dma2 semaphore(%arg9 : memref<!tpu.dma_semaphore, #tpu.memory_space<semaphore_mem>>) src(%dma_wait3A_100 : memref<64xi32, #tpu.memory_space<hbm>>) dst(%dma_wait3A_99 : memref<64xi32, #tpu.memory_space<vmem>>)
      %dma_wait3A_101 = arith.constant 0 : i32
      %dma_wait3A_102 = arith.constant 0 : i32
      %dma_wait3A_103 = tpu.memref_slice %arg8[%rem3A_77, %dma_wait3A_101, %dma_wait3A_102] : memref<2x192x128xf32, #tpu.memory_space<vmem>> -> memref<1x192x128xf32, #tpu.memory_space<vmem>>
      %dma_wait3A_104 = tpu.memref_squeeze %dma_wait3A_103 : memref<1x192x128xf32, #tpu.memory_space<vmem>> -> memref<192x128xf32, #tpu.memory_space<vmem>>
      %dma_wait3A_105 = tpu.memref_slice %arg2[%add3A_80, %mul3A_0] : memref<160000x256xf32, #tpu.memory_space<hbm>> -> memref<192x128xf32, #tpu.memory_space<hbm>>
      %dma_wait3A_106 = arith.constant 0 : i32
      %dma_wait3A_107 = arith.constant 0 : i32
      %dma_wait3A_108 = tpu.memref_slice %arg8[%rem3A_77, %dma_wait3A_106, %dma_wait3A_107] : memref<2x192x128xf32, #tpu.memory_space<vmem>> -> memref<1x192x128xf32, #tpu.memory_space<vmem>>
      %dma_wait3A_109 = tpu.memref_squeeze %dma_wait3A_108 : memref<1x192x128xf32, #tpu.memory_space<vmem>> -> memref<192x128xf32, #tpu.memory_space<vmem>>
      %dma_wait3A_110 = tpu.memref_slice %arg2[%add3A_80, %mul3A_0] : memref<160000x256xf32, #tpu.memory_space<hbm>> -> memref<192x128xf32, #tpu.memory_space<hbm>>
      tpu.wait_dma2 semaphore(%arg10 : memref<!tpu.dma_semaphore, #tpu.memory_space<semaphore_mem>>) src(%dma_wait3A_110 : memref<192x128xf32, #tpu.memory_space<hbm>>) dst(%dma_wait3A_109 : memref<192x128xf32, #tpu.memory_space<vmem>>)
      %ge3A = arith.constant 1 : i32
      %ge3A_111 = arith.cmpi sge, %scan3A_75, %ge3A : i32
      %convert_element_type3A_112 = arith.extui %ge3A_111 : i1 to i32
      %cond3A_113 = arith.constant 0 : i32
      %cond3A_114 = arith.cmpi ne, %convert_element_type3A_112, %cond3A_113 : i32
      scf.if %cond3A_114 {
        %sub3A = arith.constant 1 : i32
        %sub3A_144 = arith.subi %sub3A, %rem3A_77 : i32
        %dma_wait3A_145 = arith.constant 0 : i32
        %dma_wait3A_146 = arith.constant 0 : i32
        %dma_wait3A_147 = arith.constant 0 : i32
        %dma_wait3A_148 = tpu.memref_slice %arg8[%sub3A_144, %dma_wait3A_146, %dma_wait3A_147] : memref<2x192x128xf32, #tpu.memory_space<vmem>> -> memref<1x128x128xf32, #tpu.memory_space<vmem>>
        %dma_wait3A_149 = tpu.memref_squeeze %dma_wait3A_148 : memref<1x128x128xf32, #tpu.memory_space<vmem>> -> memref<128x128xf32, #tpu.memory_space<vmem>>
        %dma_wait3A_150 = arith.constant 0 : i32
        %dma_wait3A_151 = tpu.memref_slice %arg7[%sub3A_144, %dma_wait3A_145, %dma_wait3A_150] : memref<2x2x128xi32, #tpu.memory_space<vmem>> -> memref<1x1x128xi32, #tpu.memory_space<vmem>>
        %dma_wait3A_152 = tpu.memref_squeeze %dma_wait3A_151 : memref<1x1x128xi32, #tpu.memory_space<vmem>> -> memref<128xi32, #tpu.memory_space<vmem>>
        %dma_wait3A_153 = arith.constant 0 : i32
        %dma_wait3A_154 = arith.constant 0 : i32
        %dma_wait3A_155 = tpu.memref_slice %arg6[%dma_wait3A_153, %dma_wait3A_154] : memref<10000x128xf32, #tpu.memory_space<vmem_shared>> -> memref<10000x128xf32, #tpu.memory_space<vmem_shared>>
        tpu.wait_indirect_dma semaphore(%arg11 : memref<!tpu.dma_semaphore, #tpu.memory_space<semaphore_mem>>) src(%dma_wait3A_149 : memref<128x128xf32, #tpu.memory_space<vmem>>) dst(%dma_wait3A_155 : memref<10000x128xf32, #tpu.memory_space<vmem_shared>>)
        %dma_wait3A_156 = arith.constant 1 : i32
        %dma_wait3A_157 = arith.constant 128 : i32
        %dma_wait3A_158 = arith.constant 0 : i32
        %dma_wait3A_159 = tpu.memref_slice %arg8[%sub3A_144, %dma_wait3A_157, %dma_wait3A_158] : memref<2x192x128xf32, #tpu.memory_space<vmem>> -> memref<1x64x128xf32, #tpu.memory_space<vmem>>
        %dma_wait3A_160 = tpu.memref_squeeze %dma_wait3A_159 : memref<1x64x128xf32, #tpu.memory_space<vmem>> -> memref<64x128xf32, #tpu.memory_space<vmem>>
        %dma_wait3A_161 = arith.constant 0 : i32
        %dma_wait3A_162 = tpu.memref_slice %arg7[%sub3A_144, %dma_wait3A_156, %dma_wait3A_161] : memref<2x2x128xi32, #tpu.memory_space<vmem>> -> memref<1x1x64xi32, #tpu.memory_space<vmem>>
        %dma_wait3A_163 = tpu.memref_squeeze %dma_wait3A_162 : memref<1x1x64xi32, #tpu.memory_space<vmem>> -> memref<64xi32, #tpu.memory_space<vmem>>
        %dma_wait3A_164 = arith.constant 0 : i32
        %dma_wait3A_165 = arith.constant 0 : i32
        %dma_wait3A_166 = tpu.memref_slice %arg6[%dma_wait3A_164, %dma_wait3A_165] : memref<10000x128xf32, #tpu.memory_space<vmem_shared>> -> memref<10000x128xf32, #tpu.memory_space<vmem_shared>>
        tpu.wait_indirect_dma semaphore(%arg11 : memref<!tpu.dma_semaphore, #tpu.memory_space<semaphore_mem>>) src(%dma_wait3A_160 : memref<64x128xf32, #tpu.memory_space<vmem>>) dst(%dma_wait3A_166 : memref<10000x128xf32, #tpu.memory_space<vmem_shared>>)
      } else {
      }
      %add3A_115 = arith.constant 1 : i32
      %add3A_116 = arith.addi %scan3A_75, %add3A_115 : i32
      %lt3A_117 = arith.constant 52 : i32
      %lt3A_118 = arith.cmpi slt, %add3A_116, %lt3A_117 : i32
      %convert_element_type3A_119 = arith.extui %lt3A_118 : i1 to i32
      %cond3A_120 = arith.constant 0 : i32
      %cond3A_121 = arith.cmpi ne, %convert_element_type3A_119, %cond3A_120 : i32
      scf.if %cond3A_121 {
        %add3A_144 = arith.constant 1 : i32
        %add3A_145 = arith.addi %scan3A_75, %add3A_144 : i32
        %sub3A = arith.constant 1 : i32
        %sub3A_146 = arith.subi %sub3A, %rem3A_77 : i32
        %mul3A_147 = arith.constant 192 : i32
        %mul3A_148 = arith.muli %add3A_145, %mul3A_147 : i32
        %add3A_149 = arith.addi %mul3A_4, %mul3A_148 : i32
        %add3A_150 = arith.constant 128 : i32
        %add3A_151 = arith.addi %add3A_149, %add3A_150 : i32
        %dma_start3A_152 = arith.constant 0 : i32
        %dma_start3A_153 = arith.constant 0 : i32
        %dma_start3A_154 = tpu.memref_slice %arg7[%sub3A_146, %dma_start3A_152, %dma_start3A_153] : memref<2x2x128xi32, #tpu.memory_space<vmem>> -> memref<1x1x128xi32, #tpu.memory_space<vmem>>
        %dma_start3A_155 = tpu.memref_squeeze %dma_start3A_154 : memref<1x1x128xi32, #tpu.memory_space<vmem>> -> memref<128xi32, #tpu.memory_space<vmem>>
        %dma_start3A_156 = tpu.memref_slice %arg3[%add3A_149] : memref<160000xi32, #tpu.memory_space<hbm>> -> memref<128xi32, #tpu.memory_space<hbm>>
        %dma_start3A_157 = arith.constant 0 : i32
        %dma_start3A_158 = tpu.memref_slice %arg7[%sub3A_146, %dma_start3A_152, %dma_start3A_157] : memref<2x2x128xi32, #tpu.memory_space<vmem>> -> memref<1x1x128xi32, #tpu.memory_space<vmem>>
        %dma_start3A_159 = tpu.memref_squeeze %dma_start3A_158 : memref<1x1x128xi32, #tpu.memory_space<vmem>> -> memref<128xi32, #tpu.memory_space<vmem>>
        %dma_start3A_160 = tpu.memref_slice %arg3[%add3A_149] : memref<160000xi32, #tpu.memory_space<hbm>> -> memref<128xi32, #tpu.memory_space<hbm>>
        tpu.enqueue_dma source(%dma_start3A_160 : memref<128xi32, #tpu.memory_space<hbm>>) target(%dma_start3A_159 : memref<128xi32, #tpu.memory_space<vmem>>) target_semaphore(%arg9 : memref<!tpu.dma_semaphore, #tpu.memory_space<semaphore_mem>>)
        %dma_start3A_161 = arith.constant 1 : i32
        %dma_start3A_162 = arith.constant 0 : i32
        %dma_start3A_163 = tpu.memref_slice %arg7[%sub3A_146, %dma_start3A_161, %dma_start3A_162] : memref<2x2x128xi32, #tpu.memory_space<vmem>> -> memref<1x1x64xi32, #tpu.memory_space<vmem>>
        %dma_start3A_164 = tpu.memref_squeeze %dma_start3A_163 : memref<1x1x64xi32, #tpu.memory_space<vmem>> -> memref<64xi32, #tpu.memory_space<vmem>>
        %dma_start3A_165 = tpu.memref_slice %arg3[%add3A_151] : memref<160000xi32, #tpu.memory_space<hbm>> -> memref<64xi32, #tpu.memory_space<hbm>>
        %dma_start3A_166 = arith.constant 0 : i32
        %dma_start3A_167 = tpu.memref_slice %arg7[%sub3A_146, %dma_start3A_161, %dma_start3A_166] : memref<2x2x128xi32, #tpu.memory_space<vmem>> -> memref<1x1x64xi32, #tpu.memory_space<vmem>>
        %dma_start3A_168 = tpu.memref_squeeze %dma_start3A_167 : memref<1x1x64xi32, #tpu.memory_space<vmem>> -> memref<64xi32, #tpu.memory_space<vmem>>
        %dma_start3A_169 = tpu.memref_slice %arg3[%add3A_151] : memref<160000xi32, #tpu.memory_space<hbm>> -> memref<64xi32, #tpu.memory_space<hbm>>
        tpu.enqueue_dma source(%dma_start3A_169 : memref<64xi32, #tpu.memory_space<hbm>>) target(%dma_start3A_168 : memref<64xi32, #tpu.memory_space<vmem>>) target_semaphore(%arg9 : memref<!tpu.dma_semaphore, #tpu.memory_space<semaphore_mem>>)
        %dma_start3A_170 = arith.constant 0 : i32
        %dma_start3A_171 = arith.constant 0 : i32
        %dma_start3A_172 = tpu.memref_slice %arg8[%sub3A_146, %dma_start3A_170, %dma_start3A_171] : memref<2x192x128xf32, #tpu.memory_space<vmem>> -> memref<1x192x128xf32, #tpu.memory_space<vmem>>
        %dma_start3A_173 = tpu.memref_squeeze %dma_start3A_172 : memref<1x192x128xf32, #tpu.memory_space<vmem>> -> memref<192x128xf32, #tpu.memory_space<vmem>>
        %dma_start3A_174 = tpu.memref_slice %arg2[%add3A_149, %mul3A_0] : memref<160000x256xf32, #tpu.memory_space<hbm>> -> memref<192x128xf32, #tpu.memory_space<hbm>>
        %dma_start3A_175 = arith.constant 0 : i32
        %dma_start3A_176 = arith.constant 0 : i32
        %dma_start3A_177 = tpu.memref_slice %arg8[%sub3A_146, %dma_start3A_175, %dma_start3A_176] : memref<2x192x128xf32, #tpu.memory_space<vmem>> -> memref<1x192x128xf32, #tpu.memory_space<vmem>>
        %dma_start3A_178 = tpu.memref_squeeze %dma_start3A_177 : memref<1x192x128xf32, #tpu.memory_space<vmem>> -> memref<192x128xf32, #tpu.memory_space<vmem>>
        %dma_start3A_179 = tpu.memref_slice %arg2[%add3A_149, %mul3A_0] : memref<160000x256xf32, #tpu.memory_space<hbm>> -> memref<192x128xf32, #tpu.memory_space<hbm>>
        tpu.enqueue_dma source(%dma_start3A_179 : memref<192x128xf32, #tpu.memory_space<hbm>>) target(%dma_start3A_178 : memref<192x128xf32, #tpu.memory_space<vmem>>) target_semaphore(%arg10 : memref<!tpu.dma_semaphore, #tpu.memory_space<semaphore_mem>>)
      } else {
      }
      %dma_start3A_122 = arith.constant 0 : i32
      %dma_start3A_123 = arith.constant 0 : i32
      %dma_start3A_124 = arith.constant 0 : i32
      %dma_start3A_125 = tpu.memref_slice %arg8[%rem3A_77, %dma_start3A_123, %dma_start3A_124] : memref<2x192x128xf32, #tpu.memory_space<vmem>> -> memref<1x128x128xf32, #tpu.memory_space<vmem>>
      %dma_start3A_126 = tpu.memref_squeeze %dma_start3A_125 : memref<1x128x128xf32, #tpu.memory_space<vmem>> -> memref<128x128xf32, #tpu.memory_space<vmem>>
      %dma_start3A_127 = arith.constant 0 : i32
      %dma_start3A_128 = tpu.memref_slice %arg7[%rem3A_77, %dma_start3A_122, %dma_start3A_127] : memref<2x2x128xi32, #tpu.memory_space<vmem>> -> memref<1x1x128xi32, #tpu.memory_space<vmem>>
      %dma_start3A_129 = tpu.memref_squeeze %dma_start3A_128 : memref<1x1x128xi32, #tpu.memory_space<vmem>> -> memref<128xi32, #tpu.memory_space<vmem>>
      %dma_start3A_130 = arith.constant 0 : i32
      %dma_start3A_131 = arith.constant 0 : i32
      %dma_start3A_132 = tpu.memref_slice %arg6[%dma_start3A_130, %dma_start3A_131] : memref<10000x128xf32, #tpu.memory_space<vmem_shared>> -> memref<10000x128xf32, #tpu.memory_space<vmem_shared>>
      tpu.enqueue_indirect_dma source(%dma_start3A_126 : memref<128x128xf32, #tpu.memory_space<vmem>>) target(%dma_start3A_132 : memref<10000x128xf32, #tpu.memory_space<vmem_shared>>) offsets(%dma_start3A_129 : memref<128xi32, #tpu.memory_space<vmem>>) semaphore(%arg11 : memref<!tpu.dma_semaphore, #tpu.memory_space<semaphore_mem>>) {add = true}
      %dma_start3A_133 = arith.constant 1 : i32
      %dma_start3A_134 = arith.constant 128 : i32
      %dma_start3A_135 = arith.constant 0 : i32
      %dma_start3A_136 = tpu.memref_slice %arg8[%rem3A_77, %dma_start3A_134, %dma_start3A_135] : memref<2x192x128xf32, #tpu.memory_space<vmem>> -> memref<1x64x128xf32, #tpu.memory_space<vmem>>
      %dma_start3A_137 = tpu.memref_squeeze %dma_start3A_136 : memref<1x64x128xf32, #tpu.memory_space<vmem>> -> memref<64x128xf32, #tpu.memory_space<vmem>>
      %dma_start3A_138 = arith.constant 0 : i32
      %dma_start3A_139 = tpu.memref_slice %arg7[%rem3A_77, %dma_start3A_133, %dma_start3A_138] : memref<2x2x128xi32, #tpu.memory_space<vmem>> -> memref<1x1x64xi32, #tpu.memory_space<vmem>>
      %dma_start3A_140 = tpu.memref_squeeze %dma_start3A_139 : memref<1x1x64xi32, #tpu.memory_space<vmem>> -> memref<64xi32, #tpu.memory_space<vmem>>
      %dma_start3A_141 = arith.constant 0 : i32
      %dma_start3A_142 = arith.constant 0 : i32
      %dma_start3A_143 = tpu.memref_slice %arg6[%dma_start3A_141, %dma_start3A_142] : memref<10000x128xf32, #tpu.memory_space<vmem_shared>> -> memref<10000x128xf32, #tpu.memory_space<vmem_shared>>
      tpu.enqueue_indirect_dma source(%dma_start3A_137 : memref<64x128xf32, #tpu.memory_space<vmem>>) target(%dma_start3A_143 : memref<10000x128xf32, #tpu.memory_space<vmem_shared>>) offsets(%dma_start3A_140 : memref<64xi32, #tpu.memory_space<vmem>>) semaphore(%arg11 : memref<!tpu.dma_semaphore, #tpu.memory_space<semaphore_mem>>) {add = true}
    }
    %scan3A_41 = arith.constant 52 : i32
    %rem3A = arith.constant 51 : i32
    %rem3A_42 = arith.constant 2 : i32
    %rem3A_43 = arith.remsi %rem3A, %rem3A_42 : i32
    %dma_wait3A = arith.constant 0 : i32
    %dma_wait3A_44 = arith.constant 0 : i32
    %dma_wait3A_45 = arith.constant 0 : i32
    %dma_wait3A_46 = tpu.memref_slice %arg8[%rem3A_43, %dma_wait3A_44, %dma_wait3A_45] : memref<2x192x128xf32, #tpu.memory_space<vmem>> -> memref<1x128x128xf32, #tpu.memory_space<vmem>>
    %dma_wait3A_47 = tpu.memref_squeeze %dma_wait3A_46 : memref<1x128x128xf32, #tpu.memory_space<vmem>> -> memref<128x128xf32, #tpu.memory_space<vmem>>
    %dma_wait3A_48 = arith.constant 0 : i32
    %dma_wait3A_49 = tpu.memref_slice %arg7[%rem3A_43, %dma_wait3A, %dma_wait3A_48] : memref<2x2x128xi32, #tpu.memory_space<vmem>> -> memref<1x1x128xi32, #tpu.memory_space<vmem>>
    %dma_wait3A_50 = tpu.memref_squeeze %dma_wait3A_49 : memref<1x1x128xi32, #tpu.memory_space<vmem>> -> memref<128xi32, #tpu.memory_space<vmem>>
    %dma_wait3A_51 = arith.constant 0 : i32
    %dma_wait3A_52 = arith.constant 0 : i32
    %dma_wait3A_53 = tpu.memref_slice %arg6[%dma_wait3A_51, %dma_wait3A_52] : memref<10000x128xf32, #tpu.memory_space<vmem_shared>> -> memref<10000x128xf32, #tpu.memory_space<vmem_shared>>
    tpu.wait_indirect_dma semaphore(%arg11 : memref<!tpu.dma_semaphore, #tpu.memory_space<semaphore_mem>>) src(%dma_wait3A_47 : memref<128x128xf32, #tpu.memory_space<vmem>>) dst(%dma_wait3A_53 : memref<10000x128xf32, #tpu.memory_space<vmem_shared>>)
    %dma_wait3A_54 = arith.constant 1 : i32
    %dma_wait3A_55 = arith.constant 128 : i32
    %dma_wait3A_56 = arith.constant 0 : i32
    %dma_wait3A_57 = tpu.memref_slice %arg8[%rem3A_43, %dma_wait3A_55, %dma_wait3A_56] : memref<2x192x128xf32, #tpu.memory_space<vmem>> -> memref<1x64x128xf32, #tpu.memory_space<vmem>>
    %dma_wait3A_58 = tpu.memref_squeeze %dma_wait3A_57 : memref<1x64x128xf32, #tpu.memory_space<vmem>> -> memref<64x128xf32, #tpu.memory_space<vmem>>
    %dma_wait3A_59 = arith.constant 0 : i32
    %dma_wait3A_60 = tpu.memref_slice %arg7[%rem3A_43, %dma_wait3A_54, %dma_wait3A_59] : memref<2x2x128xi32, #tpu.memory_space<vmem>> -> memref<1x1x64xi32, #tpu.memory_space<vmem>>
    %dma_wait3A_61 = tpu.memref_squeeze %dma_wait3A_60 : memref<1x1x64xi32, #tpu.memory_space<vmem>> -> memref<64xi32, #tpu.memory_space<vmem>>
    %dma_wait3A_62 = arith.constant 0 : i32
    %dma_wait3A_63 = arith.constant 0 : i32
    %dma_wait3A_64 = tpu.memref_slice %arg6[%dma_wait3A_62, %dma_wait3A_63] : memref<10000x128xf32, #tpu.memory_space<vmem_shared>> -> memref<10000x128xf32, #tpu.memory_space<vmem_shared>>
    tpu.wait_indirect_dma semaphore(%arg11 : memref<!tpu.dma_semaphore, #tpu.memory_space<semaphore_mem>>) src(%dma_wait3A_58 : memref<64x128xf32, #tpu.memory_space<vmem>>) dst(%dma_wait3A_64 : memref<10000x128xf32, #tpu.memory_space<vmem_shared>>)
    %eq3A = arith.constant 0 : i32
    %eq3A_65 = arith.cmpi eq, %arg1, %eq3A : i32
    %convert_element_type3A_66 = arith.extui %eq3A_65 : i1 to i32
    %cond3A_67 = arith.constant 0 : i32
    %cond3A_68 = arith.cmpi ne, %convert_element_type3A_66, %cond3A_67 : i32
    scf.if %cond3A_68 {
      %run_scoped3A = arith.constant 0 : i32
      %run_scoped3A_75 = arith.constant 0 : i32
      "tpu.region"() ({
        %run_scoped3A_86 = tpu.sem_alloc : memref<!tpu.dma_semaphore, #tpu.memory_space<semaphore_mem>>
        %dma_start3A_87 = arith.constant 0 : i32
        %dma_start3A_88 = tpu.memref_slice %arg7[%run_scoped3A, %run_scoped3A_75, %dma_start3A_87] : memref<2x2x128xi32, #tpu.memory_space<vmem>> -> memref<1x1x128xi32, #tpu.memory_space<vmem>>
        %dma_start3A_89 = tpu.memref_squeeze %dma_start3A_88 : memref<1x1x128xi32, #tpu.memory_space<vmem>> -> memref<128xi32, #tpu.memory_space<vmem>>
        %dma_start3A_90 = arith.constant 159744 : i32
        %dma_start3A_91 = tpu.memref_slice %arg3[%dma_start3A_90] : memref<160000xi32, #tpu.memory_space<hbm>> -> memref<128xi32, #tpu.memory_space<hbm>>
        %dma_start3A_92 = arith.constant 0 : i32
        %dma_start3A_93 = tpu.memref_slice %arg7[%run_scoped3A, %run_scoped3A_75, %dma_start3A_92] : memref<2x2x128xi32, #tpu.memory_space<vmem>> -> memref<1x1x128xi32, #tpu.memory_space<vmem>>
        %dma_start3A_94 = tpu.memref_squeeze %dma_start3A_93 : memref<1x1x128xi32, #tpu.memory_space<vmem>> -> memref<128xi32, #tpu.memory_space<vmem>>
        %dma_start3A_95 = arith.constant 159744 : i32
        %dma_start3A_96 = tpu.memref_slice %arg3[%dma_start3A_95] : memref<160000xi32, #tpu.memory_space<hbm>> -> memref<128xi32, #tpu.memory_space<hbm>>
        tpu.enqueue_dma source(%dma_start3A_96 : memref<128xi32, #tpu.memory_space<hbm>>) target(%dma_start3A_94 : memref<128xi32, #tpu.memory_space<vmem>>) target_semaphore(%run_scoped3A_86 : memref<!tpu.dma_semaphore, #tpu.memory_space<semaphore_mem>>)
        %dma_wait3A_97 = arith.constant 0 : i32
        %dma_wait3A_98 = tpu.memref_slice %arg7[%run_scoped3A, %run_scoped3A_75, %dma_wait3A_97] : memref<2x2x128xi32, #tpu.memory_space<vmem>> -> memref<1x1x128xi32, #tpu.memory_space<vmem>>
        %dma_wait3A_99 = tpu.memref_squeeze %dma_wait3A_98 : memref<1x1x128xi32, #tpu.memory_space<vmem>> -> memref<128xi32, #tpu.memory_space<vmem>>
        %dma_wait3A_100 = arith.constant 159744 : i32
        %dma_wait3A_101 = tpu.memref_slice %arg3[%dma_wait3A_100] : memref<160000xi32, #tpu.memory_space<hbm>> -> memref<128xi32, #tpu.memory_space<hbm>>
        %dma_wait3A_102 = arith.constant 0 : i32
        %dma_wait3A_103 = tpu.memref_slice %arg7[%run_scoped3A, %run_scoped3A_75, %dma_wait3A_102] : memref<2x2x128xi32, #tpu.memory_space<vmem>> -> memref<1x1x128xi32, #tpu.memory_space<vmem>>
        %dma_wait3A_104 = tpu.memref_squeeze %dma_wait3A_103 : memref<1x1x128xi32, #tpu.memory_space<vmem>> -> memref<128xi32, #tpu.memory_space<vmem>>
        %dma_wait3A_105 = arith.constant 159744 : i32
        %dma_wait3A_106 = tpu.memref_slice %arg3[%dma_wait3A_105] : memref<160000xi32, #tpu.memory_space<hbm>> -> memref<128xi32, #tpu.memory_space<hbm>>
        tpu.wait_dma2 semaphore(%run_scoped3A_86 : memref<!tpu.dma_semaphore, #tpu.memory_space<semaphore_mem>>) src(%dma_wait3A_106 : memref<128xi32, #tpu.memory_space<hbm>>) dst(%dma_wait3A_104 : memref<128xi32, #tpu.memory_space<vmem>>)
        tpu.yield
      }) : () -> ()
      %run_scoped3A_76 = arith.constant 0 : i32
      %run_scoped3A_77 = arith.constant 1 : i32
      "tpu.region"() ({
        %run_scoped3A_86 = tpu.sem_alloc : memref<!tpu.dma_semaphore, #tpu.memory_space<semaphore_mem>>
        %dma_start3A_87 = arith.constant 0 : i32
        %dma_start3A_88 = tpu.memref_slice %arg7[%run_scoped3A_76, %run_scoped3A_77, %dma_start3A_87] : memref<2x2x128xi32, #tpu.memory_space<vmem>> -> memref<1x1x128xi32, #tpu.memory_space<vmem>>
        %dma_start3A_89 = tpu.memref_squeeze %dma_start3A_88 : memref<1x1x128xi32, #tpu.memory_space<vmem>> -> memref<128xi32, #tpu.memory_space<vmem>>
        %dma_start3A_90 = arith.constant 159872 : i32
        %dma_start3A_91 = tpu.memref_slice %arg3[%dma_start3A_90] : memref<160000xi32, #tpu.memory_space<hbm>> -> memref<128xi32, #tpu.memory_space<hbm>>
        %dma_start3A_92 = arith.constant 0 : i32
        %dma_start3A_93 = tpu.memref_slice %arg7[%run_scoped3A_76, %run_scoped3A_77, %dma_start3A_92] : memref<2x2x128xi32, #tpu.memory_space<vmem>> -> memref<1x1x128xi32, #tpu.memory_space<vmem>>
        %dma_start3A_94 = tpu.memref_squeeze %dma_start3A_93 : memref<1x1x128xi32, #tpu.memory_space<vmem>> -> memref<128xi32, #tpu.memory_space<vmem>>
        %dma_start3A_95 = arith.constant 159872 : i32
        %dma_start3A_96 = tpu.memref_slice %arg3[%dma_start3A_95] : memref<160000xi32, #tpu.memory_space<hbm>> -> memref<128xi32, #tpu.memory_space<hbm>>
        tpu.enqueue_dma source(%dma_start3A_96 : memref<128xi32, #tpu.memory_space<hbm>>) target(%dma_start3A_94 : memref<128xi32, #tpu.memory_space<vmem>>) target_semaphore(%run_scoped3A_86 : memref<!tpu.dma_semaphore, #tpu.memory_space<semaphore_mem>>)
        %dma_wait3A_97 = arith.constant 0 : i32
        %dma_wait3A_98 = tpu.memref_slice %arg7[%run_scoped3A_76, %run_scoped3A_77, %dma_wait3A_97] : memref<2x2x128xi32, #tpu.memory_space<vmem>> -> memref<1x1x128xi32, #tpu.memory_space<vmem>>
        %dma_wait3A_99 = tpu.memref_squeeze %dma_wait3A_98 : memref<1x1x128xi32, #tpu.memory_space<vmem>> -> memref<128xi32, #tpu.memory_space<vmem>>
        %dma_wait3A_100 = arith.constant 159872 : i32
        %dma_wait3A_101 = tpu.memref_slice %arg3[%dma_wait3A_100] : memref<160000xi32, #tpu.memory_space<hbm>> -> memref<128xi32, #tpu.memory_space<hbm>>
        %dma_wait3A_102 = arith.constant 0 : i32
        %dma_wait3A_103 = tpu.memref_slice %arg7[%run_scoped3A_76, %run_scoped3A_77, %dma_wait3A_102] : memref<2x2x128xi32, #tpu.memory_space<vmem>> -> memref<1x1x128xi32, #tpu.memory_space<vmem>>
        %dma_wait3A_104 = tpu.memref_squeeze %dma_wait3A_103 : memref<1x1x128xi32, #tpu.memory_space<vmem>> -> memref<128xi32, #tpu.memory_space<vmem>>
        %dma_wait3A_105 = arith.constant 159872 : i32
        %dma_wait3A_106 = tpu.memref_slice %arg3[%dma_wait3A_105] : memref<160000xi32, #tpu.memory_space<hbm>> -> memref<128xi32, #tpu.memory_space<hbm>>
        tpu.wait_dma2 semaphore(%run_scoped3A_86 : memref<!tpu.dma_semaphore, #tpu.memory_space<semaphore_mem>>) src(%dma_wait3A_106 : memref<128xi32, #tpu.memory_space<hbm>>) dst(%dma_wait3A_104 : memref<128xi32, #tpu.memory_space<vmem>>)
        tpu.yield
      }) : () -> ()
      %run_scoped3A_78 = arith.constant 0 : i32
      "tpu.region"() ({
        %run_scoped3A_86 = tpu.sem_alloc : memref<!tpu.dma_semaphore, #tpu.memory_space<semaphore_mem>>
        %dma_start3A_87 = arith.constant 0 : i32
        %dma_start3A_88 = arith.constant 0 : i32
        %dma_start3A_89 = tpu.memref_slice %arg8[%run_scoped3A_78, %dma_start3A_87, %dma_start3A_88] : memref<2x192x128xf32, #tpu.memory_space<vmem>> -> memref<1x128x128xf32, #tpu.memory_space<vmem>>
        %dma_start3A_90 = tpu.memref_squeeze %dma_start3A_89 : memref<1x128x128xf32, #tpu.memory_space<vmem>> -> memref<128x128xf32, #tpu.memory_space<vmem>>
        %dma_start3A_91 = arith.constant 159744 : i32
        %dma_start3A_92 = tpu.memref_slice %arg2[%dma_start3A_91, %mul3A_0] : memref<160000x256xf32, #tpu.memory_space<hbm>> -> memref<128x128xf32, #tpu.memory_space<hbm>>
        %dma_start3A_93 = arith.constant 0 : i32
        %dma_start3A_94 = arith.constant 0 : i32
        %dma_start3A_95 = tpu.memref_slice %arg8[%run_scoped3A_78, %dma_start3A_93, %dma_start3A_94] : memref<2x192x128xf32, #tpu.memory_space<vmem>> -> memref<1x128x128xf32, #tpu.memory_space<vmem>>
        %dma_start3A_96 = tpu.memref_squeeze %dma_start3A_95 : memref<1x128x128xf32, #tpu.memory_space<vmem>> -> memref<128x128xf32, #tpu.memory_space<vmem>>
        %dma_start3A_97 = arith.constant 159744 : i32
        %dma_start3A_98 = tpu.memref_slice %arg2[%dma_start3A_97, %mul3A_0] : memref<160000x256xf32, #tpu.memory_space<hbm>> -> memref<128x128xf32, #tpu.memory_space<hbm>>
        tpu.enqueue_dma source(%dma_start3A_98 : memref<128x128xf32, #tpu.memory_space<hbm>>) target(%dma_start3A_96 : memref<128x128xf32, #tpu.memory_space<vmem>>) target_semaphore(%run_scoped3A_86 : memref<!tpu.dma_semaphore, #tpu.memory_space<semaphore_mem>>)
        %dma_wait3A_99 = arith.constant 0 : i32
        %dma_wait3A_100 = arith.constant 0 : i32
        %dma_wait3A_101 = tpu.memref_slice %arg8[%run_scoped3A_78, %dma_wait3A_99, %dma_wait3A_100] : memref<2x192x128xf32, #tpu.memory_space<vmem>> -> memref<1x128x128xf32, #tpu.memory_space<vmem>>
        %dma_wait3A_102 = tpu.memref_squeeze %dma_wait3A_101 : memref<1x128x128xf32, #tpu.memory_space<vmem>> -> memref<128x128xf32, #tpu.memory_space<vmem>>
        %dma_wait3A_103 = arith.constant 159744 : i32
        %dma_wait3A_104 = tpu.memref_slice %arg2[%dma_wait3A_103, %mul3A_0] : memref<160000x256xf32, #tpu.memory_space<hbm>> -> memref<128x128xf32, #tpu.memory_space<hbm>>
        %dma_wait3A_105 = arith.constant 0 : i32
        %dma_wait3A_106 = arith.constant 0 : i32
        %dma_wait3A_107 = tpu.memref_slice %arg8[%run_scoped3A_78, %dma_wait3A_105, %dma_wait3A_106] : memref<2x192x128xf32, #tpu.memory_space<vmem>> -> memref<1x128x128xf32, #tpu.memory_space<vmem>>
        %dma_wait3A_108 = tpu.memref_squeeze %dma_wait3A_107 : memref<1x128x128xf32, #tpu.memory_space<vmem>> -> memref<128x128xf32, #tpu.memory_space<vmem>>
        %dma_wait3A_109 = arith.constant 159744 : i32
        %dma_wait3A_110 = tpu.memref_slice %arg2[%dma_wait3A_109, %mul3A_0] : memref<160000x256xf32, #tpu.memory_space<hbm>> -> memref<128x128xf32, #tpu.memory_space<hbm>>
        tpu.wait_dma2 semaphore(%run_scoped3A_86 : memref<!tpu.dma_semaphore, #tpu.memory_space<semaphore_mem>>) src(%dma_wait3A_110 : memref<128x128xf32, #tpu.memory_space<hbm>>) dst(%dma_wait3A_108 : memref<128x128xf32, #tpu.memory_space<vmem>>)
        tpu.yield
      }) : () -> ()
      %run_scoped3A_79 = arith.constant 1 : i32
      "tpu.region"() ({
        %run_scoped3A_86 = tpu.sem_alloc : memref<!tpu.dma_semaphore, #tpu.memory_space<semaphore_mem>>
        %dma_start3A_87 = arith.constant 0 : i32
        %dma_start3A_88 = arith.constant 0 : i32
        %dma_start3A_89 = tpu.memref_slice %arg8[%run_scoped3A_79, %dma_start3A_87, %dma_start3A_88] : memref<2x192x128xf32, #tpu.memory_space<vmem>> -> memref<1x128x128xf32, #tpu.memory_space<vmem>>
        %dma_start3A_90 = tpu.memref_squeeze %dma_start3A_89 : memref<1x128x128xf32, #tpu.memory_space<vmem>> -> memref<128x128xf32, #tpu.memory_space<vmem>>
        %dma_start3A_91 = arith.constant 159872 : i32
        %dma_start3A_92 = tpu.memref_slice %arg2[%dma_start3A_91, %mul3A_0] : memref<160000x256xf32, #tpu.memory_space<hbm>> -> memref<128x128xf32, #tpu.memory_space<hbm>>
        %dma_start3A_93 = arith.constant 0 : i32
        %dma_start3A_94 = arith.constant 0 : i32
        %dma_start3A_95 = tpu.memref_slice %arg8[%run_scoped3A_79, %dma_start3A_93, %dma_start3A_94] : memref<2x192x128xf32, #tpu.memory_space<vmem>> -> memref<1x128x128xf32, #tpu.memory_space<vmem>>
        %dma_start3A_96 = tpu.memref_squeeze %dma_start3A_95 : memref<1x128x128xf32, #tpu.memory_space<vmem>> -> memref<128x128xf32, #tpu.memory_space<vmem>>
        %dma_start3A_97 = arith.constant 159872 : i32
        %dma_start3A_98 = tpu.memref_slice %arg2[%dma_start3A_97, %mul3A_0] : memref<160000x256xf32, #tpu.memory_space<hbm>> -> memref<128x128xf32, #tpu.memory_space<hbm>>
        tpu.enqueue_dma source(%dma_start3A_98 : memref<128x128xf32, #tpu.memory_space<hbm>>) target(%dma_start3A_96 : memref<128x128xf32, #tpu.memory_space<vmem>>) target_semaphore(%run_scoped3A_86 : memref<!tpu.dma_semaphore, #tpu.memory_space<semaphore_mem>>)
        %dma_wait3A_99 = arith.constant 0 : i32
        %dma_wait3A_100 = arith.constant 0 : i32
        %dma_wait3A_101 = tpu.memref_slice %arg8[%run_scoped3A_79, %dma_wait3A_99, %dma_wait3A_100] : memref<2x192x128xf32, #tpu.memory_space<vmem>> -> memref<1x128x128xf32, #tpu.memory_space<vmem>>
        %dma_wait3A_102 = tpu.memref_squeeze %dma_wait3A_101 : memref<1x128x128xf32, #tpu.memory_space<vmem>> -> memref<128x128xf32, #tpu.memory_space<vmem>>
        %dma_wait3A_103 = arith.constant 159872 : i32
        %dma_wait3A_104 = tpu.memref_slice %arg2[%dma_wait3A_103, %mul3A_0] : memref<160000x256xf32, #tpu.memory_space<hbm>> -> memref<128x128xf32, #tpu.memory_space<hbm>>
        %dma_wait3A_105 = arith.constant 0 : i32
        %dma_wait3A_106 = arith.constant 0 : i32
        %dma_wait3A_107 = tpu.memref_slice %arg8[%run_scoped3A_79, %dma_wait3A_105, %dma_wait3A_106] : memref<2x192x128xf32, #tpu.memory_space<vmem>> -> memref<1x128x128xf32, #tpu.memory_space<vmem>>
        %dma_wait3A_108 = tpu.memref_squeeze %dma_wait3A_107 : memref<1x128x128xf32, #tpu.memory_space<vmem>> -> memref<128x128xf32, #tpu.memory_space<vmem>>
        %dma_wait3A_109 = arith.constant 159872 : i32
        %dma_wait3A_110 = tpu.memref_slice %arg2[%dma_wait3A_109, %mul3A_0] : memref<160000x256xf32, #tpu.memory_space<hbm>> -> memref<128x128xf32, #tpu.memory_space<hbm>>
        tpu.wait_dma2 semaphore(%run_scoped3A_86 : memref<!tpu.dma_semaphore, #tpu.memory_space<semaphore_mem>>) src(%dma_wait3A_110 : memref<128x128xf32, #tpu.memory_space<hbm>>) dst(%dma_wait3A_108 : memref<128x128xf32, #tpu.memory_space<vmem>>)
        tpu.yield
      }) : () -> ()
      %run_scoped3A_80 = arith.constant 0 : i32
      %run_scoped3A_81 = arith.constant 0 : i32
      %run_scoped3A_82 = arith.constant 0 : i32
      "tpu.region"() ({
        %run_scoped3A_86 = tpu.sem_alloc : memref<!tpu.dma_semaphore, #tpu.memory_space<semaphore_mem>>
        %dma_start3A_87 = arith.constant 0 : i32
        %dma_start3A_88 = arith.constant 0 : i32
        %dma_start3A_89 = tpu.memref_slice %arg8[%run_scoped3A_80, %dma_start3A_87, %dma_start3A_88] : memref<2x192x128xf32, #tpu.memory_space<vmem>> -> memref<1x128x128xf32, #tpu.memory_space<vmem>>
        %dma_start3A_90 = tpu.memref_squeeze %dma_start3A_89 : memref<1x128x128xf32, #tpu.memory_space<vmem>> -> memref<128x128xf32, #tpu.memory_space<vmem>>
        %dma_start3A_91 = arith.constant 0 : i32
        %dma_start3A_92 = tpu.memref_slice %arg7[%run_scoped3A_81, %run_scoped3A_82, %dma_start3A_91] : memref<2x2x128xi32, #tpu.memory_space<vmem>> -> memref<1x1x128xi32, #tpu.memory_space<vmem>>
        %dma_start3A_93 = tpu.memref_squeeze %dma_start3A_92 : memref<1x1x128xi32, #tpu.memory_space<vmem>> -> memref<128xi32, #tpu.memory_space<vmem>>
        %dma_start3A_94 = arith.constant 0 : i32
        %dma_start3A_95 = arith.constant 0 : i32
        %dma_start3A_96 = tpu.memref_slice %arg6[%dma_start3A_94, %dma_start3A_95] : memref<10000x128xf32, #tpu.memory_space<vmem_shared>> -> memref<10000x128xf32, #tpu.memory_space<vmem_shared>>
        tpu.enqueue_indirect_dma source(%dma_start3A_90 : memref<128x128xf32, #tpu.memory_space<vmem>>) target(%dma_start3A_96 : memref<10000x128xf32, #tpu.memory_space<vmem_shared>>) offsets(%dma_start3A_93 : memref<128xi32, #tpu.memory_space<vmem>>) semaphore(%run_scoped3A_86 : memref<!tpu.dma_semaphore, #tpu.memory_space<semaphore_mem>>) {add = true}
        %dma_wait3A_97 = arith.constant 0 : i32
        %dma_wait3A_98 = arith.constant 0 : i32
        %dma_wait3A_99 = tpu.memref_slice %arg8[%run_scoped3A_80, %dma_wait3A_97, %dma_wait3A_98] : memref<2x192x128xf32, #tpu.memory_space<vmem>> -> memref<1x128x128xf32, #tpu.memory_space<vmem>>
        %dma_wait3A_100 = tpu.memref_squeeze %dma_wait3A_99 : memref<1x128x128xf32, #tpu.memory_space<vmem>> -> memref<128x128xf32, #tpu.memory_space<vmem>>
        %dma_wait3A_101 = arith.constant 0 : i32
        %dma_wait3A_102 = tpu.memref_slice %arg7[%run_scoped3A_81, %run_scoped3A_82, %dma_wait3A_101] : memref<2x2x128xi32, #tpu.memory_space<vmem>> -> memref<1x1x128xi32, #tpu.memory_space<vmem>>
        %dma_wait3A_103 = tpu.memref_squeeze %dma_wait3A_102 : memref<1x1x128xi32, #tpu.memory_space<vmem>> -> memref<128xi32, #tpu.memory_space<vmem>>
        %dma_wait3A_104 = arith.constant 0 : i32
        %dma_wait3A_105 = arith.constant 0 : i32
        %dma_wait3A_106 = tpu.memref_slice %arg6[%dma_wait3A_104, %dma_wait3A_105] : memref<10000x128xf32, #tpu.memory_space<vmem_shared>> -> memref<10000x128xf32, #tpu.memory_space<vmem_shared>>
        tpu.wait_indirect_dma semaphore(%run_scoped3A_86 : memref<!tpu.dma_semaphore, #tpu.memory_space<semaphore_mem>>) src(%dma_wait3A_100 : memref<128x128xf32, #tpu.memory_space<vmem>>) dst(%dma_wait3A_106 : memref<10000x128xf32, #tpu.memory_space<vmem_shared>>)
        tpu.yield
      }) : () -> ()
      %run_scoped3A_83 = arith.constant 1 : i32
      %run_scoped3A_84 = arith.constant 0 : i32
      %run_scoped3A_85 = arith.constant 1 : i32
      "tpu.region"() ({
        %run_scoped3A_86 = tpu.sem_alloc : memref<!tpu.dma_semaphore, #tpu.memory_space<semaphore_mem>>
        %dma_start3A_87 = arith.constant 0 : i32
        %dma_start3A_88 = arith.constant 0 : i32
        %dma_start3A_89 = tpu.memref_slice %arg8[%run_scoped3A_83, %dma_start3A_87, %dma_start3A_88] : memref<2x192x128xf32, #tpu.memory_space<vmem>> -> memref<1x128x128xf32, #tpu.memory_space<vmem>>
        %dma_start3A_90 = tpu.memref_squeeze %dma_start3A_89 : memref<1x128x128xf32, #tpu.memory_space<vmem>> -> memref<128x128xf32, #tpu.memory_space<vmem>>
        %dma_start3A_91 = arith.constant 0 : i32
        %dma_start3A_92 = tpu.memref_slice %arg7[%run_scoped3A_84, %run_scoped3A_85, %dma_start3A_91] : memref<2x2x128xi32, #tpu.memory_space<vmem>> -> memref<1x1x128xi32, #tpu.memory_space<vmem>>
        %dma_start3A_93 = tpu.memref_squeeze %dma_start3A_92 : memref<1x1x128xi32, #tpu.memory_space<vmem>> -> memref<128xi32, #tpu.memory_space<vmem>>
        %dma_start3A_94 = arith.constant 0 : i32
        %dma_start3A_95 = arith.constant 0 : i32
        %dma_start3A_96 = tpu.memref_slice %arg6[%dma_start3A_94, %dma_start3A_95] : memref<10000x128xf32, #tpu.memory_space<vmem_shared>> -> memref<10000x128xf32, #tpu.memory_space<vmem_shared>>
        tpu.enqueue_indirect_dma source(%dma_start3A_90 : memref<128x128xf32, #tpu.memory_space<vmem>>) target(%dma_start3A_96 : memref<10000x128xf32, #tpu.memory_space<vmem_shared>>) offsets(%dma_start3A_93 : memref<128xi32, #tpu.memory_space<vmem>>) semaphore(%run_scoped3A_86 : memref<!tpu.dma_semaphore, #tpu.memory_space<semaphore_mem>>) {add = true}
        %dma_wait3A_97 = arith.constant 0 : i32
        %dma_wait3A_98 = arith.constant 0 : i32
        %dma_wait3A_99 = tpu.memref_slice %arg8[%run_scoped3A_83, %dma_wait3A_97, %dma_wait3A_98] : memref<2x192x128xf32, #tpu.memory_space<vmem>> -> memref<1x128x128xf32, #tpu.memory_space<vmem>>
        %dma_wait3A_100 = tpu.memref_squeeze %dma_wait3A_99 : memref<1x128x128xf32, #tpu.memory_space<vmem>> -> memref<128x128xf32, #tpu.memory_space<vmem>>
        %dma_wait3A_101 = arith.constant 0 : i32
        %dma_wait3A_102 = tpu.memref_slice %arg7[%run_scoped3A_84, %run_scoped3A_85, %dma_wait3A_101] : memref<2x2x128xi32, #tpu.memory_space<vmem>> -> memref<1x1x128xi32, #tpu.memory_space<vmem>>
        %dma_wait3A_103 = tpu.memref_squeeze %dma_wait3A_102 : memref<1x1x128xi32, #tpu.memory_space<vmem>> -> memref<128xi32, #tpu.memory_space<vmem>>
        %dma_wait3A_104 = arith.constant 0 : i32
        %dma_wait3A_105 = arith.constant 0 : i32
        %dma_wait3A_106 = tpu.memref_slice %arg6[%dma_wait3A_104, %dma_wait3A_105] : memref<10000x128xf32, #tpu.memory_space<vmem_shared>> -> memref<10000x128xf32, #tpu.memory_space<vmem_shared>>
        tpu.wait_indirect_dma semaphore(%run_scoped3A_86 : memref<!tpu.dma_semaphore, #tpu.memory_space<semaphore_mem>>) src(%dma_wait3A_100 : memref<128x128xf32, #tpu.memory_space<vmem>>) dst(%dma_wait3A_106 : memref<10000x128xf32, #tpu.memory_space<vmem_shared>>)
        tpu.yield
      }) : () -> ()
    } else {
    }
    %barrier3A_69 = arith.constant 0 : index
    tpu.barrier barrier_id(%barrier3A_69)
    %lt3A_70 = arith.constant 10 : i32
    %lt3A_71 = arith.cmpi slt, %arg1, %lt3A_70 : i32
    %convert_element_type3A_72 = arith.extui %lt3A_71 : i1 to i32
    %cond3A_73 = arith.constant 0 : i32
    %cond3A_74 = arith.cmpi ne, %convert_element_type3A_72, %cond3A_73 : i32
    scf.if %cond3A_74 {
      %mul3A_75 = arith.constant 1000 : i32
      %mul3A_76 = arith.muli %arg1, %mul3A_75 : i32
      %mul3A_77 = arith.constant 1000 : i32
      %mul3A_78 = arith.muli %arg1, %mul3A_77 : i32
      "tpu.region"() ({
        %run_scoped3A = tpu.sem_alloc : memref<!tpu.dma_semaphore, #tpu.memory_space<semaphore_mem>>
        %dma_start3A_79 = tpu.memref_slice %arg5[%mul3A_78, %mul3A_0] : memref<10000x256xf32, #tpu.memory_space<hbm>> -> memref<1000x128xf32, #tpu.memory_space<hbm>>
        %dma_start3A_80 = arith.constant 0 : i32
        %dma_start3A_81 = tpu.memref_slice %arg6[%mul3A_76, %dma_start3A_80] : memref<10000x128xf32, #tpu.memory_space<vmem_shared>> -> memref<1000x128xf32, #tpu.memory_space<vmem_shared>>
        tpu.enqueue_dma source(%dma_start3A_81 : memref<1000x128xf32, #tpu.memory_space<vmem_shared>>) target(%dma_start3A_79 : memref<1000x128xf32, #tpu.memory_space<hbm>>) target_semaphore(%run_scoped3A : memref<!tpu.dma_semaphore, #tpu.memory_space<semaphore_mem>>)
        %dma_wait3A_82 = tpu.memref_slice %arg5[%mul3A_78, %mul3A_0] : memref<10000x256xf32, #tpu.memory_space<hbm>> -> memref<1000x128xf32, #tpu.memory_space<hbm>>
        %dma_wait3A_83 = arith.constant 0 : i32
        %dma_wait3A_84 = tpu.memref_slice %arg6[%mul3A_76, %dma_wait3A_83] : memref<10000x128xf32, #tpu.memory_space<vmem_shared>> -> memref<1000x128xf32, #tpu.memory_space<vmem_shared>>
        tpu.wait_dma2 semaphore(%run_scoped3A : memref<!tpu.dma_semaphore, #tpu.memory_space<semaphore_mem>>) src(%dma_wait3A_84 : memref<1000x128xf32, #tpu.memory_space<vmem_shared>>) dst(%dma_wait3A_82 : memref<1000x128xf32, #tpu.memory_space<hbm>>)
        tpu.yield
      }) : () -> ()
    } else {
    }
    return
  }
}

#map = affine_map<(d0, d1) -> (0, 0)>
#map1 = affine_map<(d0, d1) -> (0)>
module attributes {stable_mosaic.version = 14 : i64} {
  func.func @_sc_den_body(%arg0: i32, %arg1: i32, %arg2: memref<160000x256xf32, #tpu.memory_space<hbm>>, %arg3: memref<160000xi32, #tpu.memory_space<hbm>>, %arg4: memref<1000x128xf32, #tpu.memory_space<hbm>>, %arg5: memref<10000x256xf32, #tpu.memory_space<hbm>>, %arg6: memref<10000x128xf32, #tpu.memory_space<vmem_shared>>, %arg7: memref<2x2x128xi32, #tpu.memory_space<vmem>>, %arg8: memref<2x192x128xf32, #tpu.memory_space<vmem>>, %arg9: memref<!tpu.dma_semaphore, #tpu.memory_space<semaphore_mem>>, %arg10: memref<!tpu.dma_semaphore, #tpu.memory_space<semaphore_mem>>, %arg11: memref<!tpu.dma_semaphore, #tpu.memory_space<semaphore_mem>>) attributes {dimension_semantics = [#tpu.dimension_semantics<core_parallel>, #tpu.dimension_semantics<subcore_parallel>], iteration_bounds = array<i64: 2, 16>, scalar_prefetch = 0 : i64, scratch_operands = 6 : i64, tpu.core_type = #tpu.core_type<sc_vector_subcore>, window_params = [{transform_indices = #map}, {transform_indices = #map1}, {transform_indices = #map}, {transform_indices = #map}]} {
    %mul3A = arith.constant 128 : i32
    %mul3A_0 = arith.muli %arg0, %mul3A : i32
    %lt3A = arith.constant 10 : i32
    %lt3A_1 = arith.cmpi slt, %arg1, %lt3A : i32
    %convert_element_type3A = arith.extui %lt3A_1 : i1 to i32
    %cond3A = arith.constant 0 : i32
    %cond3A_2 = arith.cmpi ne, %convert_element_type3A, %cond3A : i32
    scf.if %cond3A_2 {
      %mul3A_75 = arith.constant 1000 : i32
      %mul3A_76 = arith.muli %arg1, %mul3A_75 : i32
      "tpu.region"() ({
        %run_scoped3A = tpu.sem_alloc : memref<!tpu.dma_semaphore, #tpu.memory_space<semaphore_mem>>
        %dma_start3A_77 = arith.constant 0 : i32
        %dma_start3A_78 = tpu.memref_slice %arg6[%mul3A_76, %dma_start3A_77] : memref<10000x128xf32, #tpu.memory_space<vmem_shared>> -> memref<1000x128xf32, #tpu.memory_space<vmem_shared>>
        tpu.enqueue_dma source(%arg4 : memref<1000x128xf32, #tpu.memory_space<hbm>>) target(%dma_start3A_78 : memref<1000x128xf32, #tpu.memory_space<vmem_shared>>) target_semaphore(%run_scoped3A : memref<!tpu.dma_semaphore, #tpu.memory_space<semaphore_mem>>)
        %dma_wait3A_79 = arith.constant 0 : i32
        %dma_wait3A_80 = tpu.memref_slice %arg6[%mul3A_76, %dma_wait3A_79] : memref<10000x128xf32, #tpu.memory_space<vmem_shared>> -> memref<1000x128xf32, #tpu.memory_space<vmem_shared>>
        tpu.wait_dma2 semaphore(%run_scoped3A : memref<!tpu.dma_semaphore, #tpu.memory_space<semaphore_mem>>) src(%arg4 : memref<1000x128xf32, #tpu.memory_space<hbm>>) dst(%dma_wait3A_80 : memref<1000x128xf32, #tpu.memory_space<vmem_shared>>)
        tpu.yield
      }) : () -> ()
    } else {
    }
    %barrier3A = arith.constant 0 : index
    tpu.barrier barrier_id(%barrier3A)
    %mul3A_3 = arith.constant 9984 : i32
    %mul3A_4 = arith.muli %arg1, %mul3A_3 : i32
    %add3A = arith.constant 0 : i32
    %add3A_5 = arith.addi %mul3A_4, %add3A : i32
    %add3A_6 = arith.constant 128 : i32
    %add3A_7 = arith.addi %add3A_5, %add3A_6 : i32
    %dma_start3A = arith.constant 0 : i32
    %dma_start3A_8 = arith.constant 0 : i32
    %dma_start3A_9 = arith.constant 0 : i32
    %dma_start3A_10 = tpu.memref_slice %arg7[%dma_start3A, %dma_start3A_8, %dma_start3A_9] : memref<2x2x128xi32, #tpu.memory_space<vmem>> -> memref<1x1x128xi32, #tpu.memory_space<vmem>>
    %dma_start3A_11 = tpu.memref_squeeze %dma_start3A_10 : memref<1x1x128xi32, #tpu.memory_space<vmem>> -> memref<128xi32, #tpu.memory_space<vmem>>
    %dma_start3A_12 = tpu.memref_slice %arg3[%add3A_5] : memref<160000xi32, #tpu.memory_space<hbm>> -> memref<128xi32, #tpu.memory_space<hbm>>
    %dma_start3A_13 = arith.constant 0 : i32
    %dma_start3A_14 = tpu.memref_slice %arg7[%dma_start3A, %dma_start3A_8, %dma_start3A_13] : memref<2x2x128xi32, #tpu.memory_space<vmem>> -> memref<1x1x128xi32, #tpu.memory_space<vmem>>
    %dma_start3A_15 = tpu.memref_squeeze %dma_start3A_14 : memref<1x1x128xi32, #tpu.memory_space<vmem>> -> memref<128xi32, #tpu.memory_space<vmem>>
    %dma_start3A_16 = tpu.memref_slice %arg3[%add3A_5] : memref<160000xi32, #tpu.memory_space<hbm>> -> memref<128xi32, #tpu.memory_space<hbm>>
    tpu.enqueue_dma source(%dma_start3A_16 : memref<128xi32, #tpu.memory_space<hbm>>) target(%dma_start3A_15 : memref<128xi32, #tpu.memory_space<vmem>>) target_semaphore(%arg9 : memref<!tpu.dma_semaphore, #tpu.memory_space<semaphore_mem>>)
    %dma_start3A_17 = arith.constant 0 : i32
    %dma_start3A_18 = arith.constant 1 : i32
    %dma_start3A_19 = arith.constant 0 : i32
    %dma_start3A_20 = tpu.memref_slice %arg7[%dma_start3A_17, %dma_start3A_18, %dma_start3A_19] : memref<2x2x128xi32, #tpu.memory_space<vmem>> -> memref<1x1x64xi32, #tpu.memory_space<vmem>>
    %dma_start3A_21 = tpu.memref_squeeze %dma_start3A_20 : memref<1x1x64xi32, #tpu.memory_space<vmem>> -> memref<64xi32, #tpu.memory_space<vmem>>
    %dma_start3A_22 = tpu.memref_slice %arg3[%add3A_7] : memref<160000xi32, #tpu.memory_space<hbm>> -> memref<64xi32, #tpu.memory_space<hbm>>
    %dma_start3A_23 = arith.constant 0 : i32
    %dma_start3A_24 = tpu.memref_slice %arg7[%dma_start3A_17, %dma_start3A_18, %dma_start3A_23] : memref<2x2x128xi32, #tpu.memory_space<vmem>> -> memref<1x1x64xi32, #tpu.memory_space<vmem>>
    %dma_start3A_25 = tpu.memref_squeeze %dma_start3A_24 : memref<1x1x64xi32, #tpu.memory_space<vmem>> -> memref<64xi32, #tpu.memory_space<vmem>>
    %dma_start3A_26 = tpu.memref_slice %arg3[%add3A_7] : memref<160000xi32, #tpu.memory_space<hbm>> -> memref<64xi32, #tpu.memory_space<hbm>>
    tpu.enqueue_dma source(%dma_start3A_26 : memref<64xi32, #tpu.memory_space<hbm>>) target(%dma_start3A_25 : memref<64xi32, #tpu.memory_space<vmem>>) target_semaphore(%arg9 : memref<!tpu.dma_semaphore, #tpu.memory_space<semaphore_mem>>)
    %dma_start3A_27 = arith.constant 0 : i32
    %dma_start3A_28 = arith.constant 0 : i32
    %dma_start3A_29 = arith.constant 0 : i32
    %dma_start3A_30 = tpu.memref_slice %arg8[%dma_start3A_27, %dma_start3A_28, %dma_start3A_29] : memref<2x192x128xf32, #tpu.memory_space<vmem>> -> memref<1x192x128xf32, #tpu.memory_space<vmem>>
    %dma_start3A_31 = tpu.memref_squeeze %dma_start3A_30 : memref<1x192x128xf32, #tpu.memory_space<vmem>> -> memref<192x128xf32, #tpu.memory_space<vmem>>
    %dma_start3A_32 = tpu.memref_slice %arg2[%add3A_5, %mul3A_0] : memref<160000x256xf32, #tpu.memory_space<hbm>> -> memref<192x128xf32, #tpu.memory_space<hbm>>
    %dma_start3A_33 = arith.constant 0 : i32
    %dma_start3A_34 = arith.constant 0 : i32
    %dma_start3A_35 = tpu.memref_slice %arg8[%dma_start3A_27, %dma_start3A_33, %dma_start3A_34] : memref<2x192x128xf32, #tpu.memory_space<vmem>> -> memref<1x192x128xf32, #tpu.memory_space<vmem>>
    %dma_start3A_36 = tpu.memref_squeeze %dma_start3A_35 : memref<1x192x128xf32, #tpu.memory_space<vmem>> -> memref<192x128xf32, #tpu.memory_space<vmem>>
    %dma_start3A_37 = tpu.memref_slice %arg2[%add3A_5, %mul3A_0] : memref<160000x256xf32, #tpu.memory_space<hbm>> -> memref<192x128xf32, #tpu.memory_space<hbm>>
    tpu.enqueue_dma source(%dma_start3A_37 : memref<192x128xf32, #tpu.memory_space<hbm>>) target(%dma_start3A_36 : memref<192x128xf32, #tpu.memory_space<vmem>>) target_semaphore(%arg10 : memref<!tpu.dma_semaphore, #tpu.memory_space<semaphore_mem>>)
    %scan3A = arith.constant 0 : i32
    %scan3A_38 = arith.constant 52 : i32
    %scan3A_39 = arith.addi %scan3A, %scan3A_38 : i32
    %scan3A_40 = arith.constant 1 : i32
    scf.for %scan3A_75 = %scan3A to %scan3A_39 step %scan3A_40  : i32 {
      %rem3A_76 = arith.constant 2 : i32
      %rem3A_77 = arith.remsi %scan3A_75, %rem3A_76 : i32
      %mul3A_78 = arith.constant 192 : i32
      %mul3A_79 = arith.muli %scan3A_75, %mul3A_78 : i32
      %add3A_80 = arith.addi %mul3A_4, %mul3A_79 : i32
      %add3A_81 = arith.constant 128 : i32
      %add3A_82 = arith.addi %add3A_80, %add3A_81 : i32
      %dma_wait3A_83 = arith.constant 0 : i32
      %dma_wait3A_84 = arith.constant 0 : i32
      %dma_wait3A_85 = tpu.memref_slice %arg7[%rem3A_77, %dma_wait3A_83, %dma_wait3A_84] : memref<2x2x128xi32, #tpu.memory_space<vmem>> -> memref<1x1x128xi32, #tpu.memory_space<vmem>>
      %dma_wait3A_86 = tpu.memref_squeeze %dma_wait3A_85 : memref<1x1x128xi32, #tpu.memory_space<vmem>> -> memref<128xi32, #tpu.memory_space<vmem>>
      %dma_wait3A_87 = tpu.memref_slice %arg3[%add3A_80] : memref<160000xi32, #tpu.memory_space<hbm>> -> memref<128xi32, #tpu.memory_space<hbm>>
      %dma_wait3A_88 = arith.constant 0 : i32
      %dma_wait3A_89 = tpu.memref_slice %arg7[%rem3A_77, %dma_wait3A_83, %dma_wait3A_88] : memref<2x2x128xi32, #tpu.memory_space<vmem>> -> memref<1x1x128xi32, #tpu.memory_space<vmem>>
      %dma_wait3A_90 = tpu.memref_squeeze %dma_wait3A_89 : memref<1x1x128xi32, #tpu.memory_space<vmem>> -> memref<128xi32, #tpu.memory_space<vmem>>
      %dma_wait3A_91 = tpu.memref_slice %arg3[%add3A_80] : memref<160000xi32, #tpu.memory_space<hbm>> -> memref<128xi32, #tpu.memory_space<hbm>>
      tpu.wait_dma2 semaphore(%arg9 : memref<!tpu.dma_semaphore, #tpu.memory_space<semaphore_mem>>) src(%dma_wait3A_91 : memref<128xi32, #tpu.memory_space<hbm>>) dst(%dma_wait3A_90 : memref<128xi32, #tpu.memory_space<vmem>>)
      %dma_wait3A_92 = arith.constant 1 : i32
      %dma_wait3A_93 = arith.constant 0 : i32
      %dma_wait3A_94 = tpu.memref_slice %arg7[%rem3A_77, %dma_wait3A_92, %dma_wait3A_93] : memref<2x2x128xi32, #tpu.memory_space<vmem>> -> memref<1x1x64xi32, #tpu.memory_space<vmem>>
      %dma_wait3A_95 = tpu.memref_squeeze %dma_wait3A_94 : memref<1x1x64xi32, #tpu.memory_space<vmem>> -> memref<64xi32, #tpu.memory_space<vmem>>
      %dma_wait3A_96 = tpu.memref_slice %arg3[%add3A_82] : memref<160000xi32, #tpu.memory_space<hbm>> -> memref<64xi32, #tpu.memory_space<hbm>>
      %dma_wait3A_97 = arith.constant 0 : i32
      %dma_wait3A_98 = tpu.memref_slice %arg7[%rem3A_77, %dma_wait3A_92, %dma_wait3A_97] : memref<2x2x128xi32, #tpu.memory_space<vmem>> -> memref<1x1x64xi32, #tpu.memory_space<vmem>>
      %dma_wait3A_99 = tpu.memref_squeeze %dma_wait3A_98 : memref<1x1x64xi32, #tpu.memory_space<vmem>> -> memref<64xi32, #tpu.memory_space<vmem>>
      %dma_wait3A_100 = tpu.memref_slice %arg3[%add3A_82] : memref<160000xi32, #tpu.memory_space<hbm>> -> memref<64xi32, #tpu.memory_space<hbm>>
      tpu.wait_dma2 semaphore(%arg9 : memref<!tpu.dma_semaphore, #tpu.memory_space<semaphore_mem>>) src(%dma_wait3A_100 : memref<64xi32, #tpu.memory_space<hbm>>) dst(%dma_wait3A_99 : memref<64xi32, #tpu.memory_space<vmem>>)
      %dma_wait3A_101 = arith.constant 0 : i32
      %dma_wait3A_102 = arith.constant 0 : i32
      %dma_wait3A_103 = tpu.memref_slice %arg8[%rem3A_77, %dma_wait3A_101, %dma_wait3A_102] : memref<2x192x128xf32, #tpu.memory_space<vmem>> -> memref<1x192x128xf32, #tpu.memory_space<vmem>>
      %dma_wait3A_104 = tpu.memref_squeeze %dma_wait3A_103 : memref<1x192x128xf32, #tpu.memory_space<vmem>> -> memref<192x128xf32, #tpu.memory_space<vmem>>
      %dma_wait3A_105 = tpu.memref_slice %arg2[%add3A_80, %mul3A_0] : memref<160000x256xf32, #tpu.memory_space<hbm>> -> memref<192x128xf32, #tpu.memory_space<hbm>>
      %dma_wait3A_106 = arith.constant 0 : i32
      %dma_wait3A_107 = arith.constant 0 : i32
      %dma_wait3A_108 = tpu.memref_slice %arg8[%rem3A_77, %dma_wait3A_106, %dma_wait3A_107] : memref<2x192x128xf32, #tpu.memory_space<vmem>> -> memref<1x192x128xf32, #tpu.memory_space<vmem>>
      %dma_wait3A_109 = tpu.memref_squeeze %dma_wait3A_108 : memref<1x192x128xf32, #tpu.memory_space<vmem>> -> memref<192x128xf32, #tpu.memory_space<vmem>>
      %dma_wait3A_110 = tpu.memref_slice %arg2[%add3A_80, %mul3A_0] : memref<160000x256xf32, #tpu.memory_space<hbm>> -> memref<192x128xf32, #tpu.memory_space<hbm>>
      tpu.wait_dma2 semaphore(%arg10 : memref<!tpu.dma_semaphore, #tpu.memory_space<semaphore_mem>>) src(%dma_wait3A_110 : memref<192x128xf32, #tpu.memory_space<hbm>>) dst(%dma_wait3A_109 : memref<192x128xf32, #tpu.memory_space<vmem>>)
      %ge3A = arith.constant 1 : i32
      %ge3A_111 = arith.cmpi sge, %scan3A_75, %ge3A : i32
      %convert_element_type3A_112 = arith.extui %ge3A_111 : i1 to i32
      %cond3A_113 = arith.constant 0 : i32
      %cond3A_114 = arith.cmpi ne, %convert_element_type3A_112, %cond3A_113 : i32
      scf.if %cond3A_114 {
        %sub3A = arith.constant 1 : i32
        %sub3A_144 = arith.subi %sub3A, %rem3A_77 : i32
        %dma_wait3A_145 = arith.constant 0 : i32
        %dma_wait3A_146 = arith.constant 0 : i32
        %dma_wait3A_147 = arith.constant 0 : i32
        %dma_wait3A_148 = tpu.memref_slice %arg8[%sub3A_144, %dma_wait3A_146, %dma_wait3A_147] : memref<2x192x128xf32, #tpu.memory_space<vmem>> -> memref<1x128x128xf32, #tpu.memory_space<vmem>>
        %dma_wait3A_149 = tpu.memref_squeeze %dma_wait3A_148 : memref<1x128x128xf32, #tpu.memory_space<vmem>> -> memref<128x128xf32, #tpu.memory_space<vmem>>
        %dma_wait3A_150 = arith.constant 0 : i32
        %dma_wait3A_151 = tpu.memref_slice %arg7[%sub3A_144, %dma_wait3A_145, %dma_wait3A_150] : memref<2x2x128xi32, #tpu.memory_space<vmem>> -> memref<1x1x128xi32, #tpu.memory_space<vmem>>
        %dma_wait3A_152 = tpu.memref_squeeze %dma_wait3A_151 : memref<1x1x128xi32, #tpu.memory_space<vmem>> -> memref<128xi32, #tpu.memory_space<vmem>>
        %dma_wait3A_153 = arith.constant 0 : i32
        %dma_wait3A_154 = arith.constant 0 : i32
        %dma_wait3A_155 = tpu.memref_slice %arg6[%dma_wait3A_153, %dma_wait3A_154] : memref<10000x128xf32, #tpu.memory_space<vmem_shared>> -> memref<10000x128xf32, #tpu.memory_space<vmem_shared>>
        tpu.wait_indirect_dma semaphore(%arg11 : memref<!tpu.dma_semaphore, #tpu.memory_space<semaphore_mem>>) src(%dma_wait3A_149 : memref<128x128xf32, #tpu.memory_space<vmem>>) dst(%dma_wait3A_155 : memref<10000x128xf32, #tpu.memory_space<vmem_shared>>)
        %dma_wait3A_156 = arith.constant 1 : i32
        %dma_wait3A_157 = arith.constant 128 : i32
        %dma_wait3A_158 = arith.constant 0 : i32
        %dma_wait3A_159 = tpu.memref_slice %arg8[%sub3A_144, %dma_wait3A_157, %dma_wait3A_158] : memref<2x192x128xf32, #tpu.memory_space<vmem>> -> memref<1x64x128xf32, #tpu.memory_space<vmem>>
        %dma_wait3A_160 = tpu.memref_squeeze %dma_wait3A_159 : memref<1x64x128xf32, #tpu.memory_space<vmem>> -> memref<64x128xf32, #tpu.memory_space<vmem>>
        %dma_wait3A_161 = arith.constant 0 : i32
        %dma_wait3A_162 = tpu.memref_slice %arg7[%sub3A_144, %dma_wait3A_156, %dma_wait3A_161] : memref<2x2x128xi32, #tpu.memory_space<vmem>> -> memref<1x1x64xi32, #tpu.memory_space<vmem>>
        %dma_wait3A_163 = tpu.memref_squeeze %dma_wait3A_162 : memref<1x1x64xi32, #tpu.memory_space<vmem>> -> memref<64xi32, #tpu.memory_space<vmem>>
        %dma_wait3A_164 = arith.constant 0 : i32
        %dma_wait3A_165 = arith.constant 0 : i32
        %dma_wait3A_166 = tpu.memref_slice %arg6[%dma_wait3A_164, %dma_wait3A_165] : memref<10000x128xf32, #tpu.memory_space<vmem_shared>> -> memref<10000x128xf32, #tpu.memory_space<vmem_shared>>
        tpu.wait_indirect_dma semaphore(%arg11 : memref<!tpu.dma_semaphore, #tpu.memory_space<semaphore_mem>>) src(%dma_wait3A_160 : memref<64x128xf32, #tpu.memory_space<vmem>>) dst(%dma_wait3A_166 : memref<10000x128xf32, #tpu.memory_space<vmem_shared>>)
      } else {
      }
      %add3A_115 = arith.constant 1 : i32
      %add3A_116 = arith.addi %scan3A_75, %add3A_115 : i32
      %lt3A_117 = arith.constant 52 : i32
      %lt3A_118 = arith.cmpi slt, %add3A_116, %lt3A_117 : i32
      %convert_element_type3A_119 = arith.extui %lt3A_118 : i1 to i32
      %cond3A_120 = arith.constant 0 : i32
      %cond3A_121 = arith.cmpi ne, %convert_element_type3A_119, %cond3A_120 : i32
      scf.if %cond3A_121 {
        %add3A_144 = arith.constant 1 : i32
        %add3A_145 = arith.addi %scan3A_75, %add3A_144 : i32
        %sub3A = arith.constant 1 : i32
        %sub3A_146 = arith.subi %sub3A, %rem3A_77 : i32
        %mul3A_147 = arith.constant 192 : i32
        %mul3A_148 = arith.muli %add3A_145, %mul3A_147 : i32
        %add3A_149 = arith.addi %mul3A_4, %mul3A_148 : i32
        %add3A_150 = arith.constant 128 : i32
        %add3A_151 = arith.addi %add3A_149, %add3A_150 : i32
        %dma_start3A_152 = arith.constant 0 : i32
        %dma_start3A_153 = arith.constant 0 : i32
        %dma_start3A_154 = tpu.memref_slice %arg7[%sub3A_146, %dma_start3A_152, %dma_start3A_153] : memref<2x2x128xi32, #tpu.memory_space<vmem>> -> memref<1x1x128xi32, #tpu.memory_space<vmem>>
        %dma_start3A_155 = tpu.memref_squeeze %dma_start3A_154 : memref<1x1x128xi32, #tpu.memory_space<vmem>> -> memref<128xi32, #tpu.memory_space<vmem>>
        %dma_start3A_156 = tpu.memref_slice %arg3[%add3A_149] : memref<160000xi32, #tpu.memory_space<hbm>> -> memref<128xi32, #tpu.memory_space<hbm>>
        %dma_start3A_157 = arith.constant 0 : i32
        %dma_start3A_158 = tpu.memref_slice %arg7[%sub3A_146, %dma_start3A_152, %dma_start3A_157] : memref<2x2x128xi32, #tpu.memory_space<vmem>> -> memref<1x1x128xi32, #tpu.memory_space<vmem>>
        %dma_start3A_159 = tpu.memref_squeeze %dma_start3A_158 : memref<1x1x128xi32, #tpu.memory_space<vmem>> -> memref<128xi32, #tpu.memory_space<vmem>>
        %dma_start3A_160 = tpu.memref_slice %arg3[%add3A_149] : memref<160000xi32, #tpu.memory_space<hbm>> -> memref<128xi32, #tpu.memory_space<hbm>>
        tpu.enqueue_dma source(%dma_start3A_160 : memref<128xi32, #tpu.memory_space<hbm>>) target(%dma_start3A_159 : memref<128xi32, #tpu.memory_space<vmem>>) target_semaphore(%arg9 : memref<!tpu.dma_semaphore, #tpu.memory_space<semaphore_mem>>)
        %dma_start3A_161 = arith.constant 1 : i32
        %dma_start3A_162 = arith.constant 0 : i32
        %dma_start3A_163 = tpu.memref_slice %arg7[%sub3A_146, %dma_start3A_161, %dma_start3A_162] : memref<2x2x128xi32, #tpu.memory_space<vmem>> -> memref<1x1x64xi32, #tpu.memory_space<vmem>>
        %dma_start3A_164 = tpu.memref_squeeze %dma_start3A_163 : memref<1x1x64xi32, #tpu.memory_space<vmem>> -> memref<64xi32, #tpu.memory_space<vmem>>
        %dma_start3A_165 = tpu.memref_slice %arg3[%add3A_151] : memref<160000xi32, #tpu.memory_space<hbm>> -> memref<64xi32, #tpu.memory_space<hbm>>
        %dma_start3A_166 = arith.constant 0 : i32
        %dma_start3A_167 = tpu.memref_slice %arg7[%sub3A_146, %dma_start3A_161, %dma_start3A_166] : memref<2x2x128xi32, #tpu.memory_space<vmem>> -> memref<1x1x64xi32, #tpu.memory_space<vmem>>
        %dma_start3A_168 = tpu.memref_squeeze %dma_start3A_167 : memref<1x1x64xi32, #tpu.memory_space<vmem>> -> memref<64xi32, #tpu.memory_space<vmem>>
        %dma_start3A_169 = tpu.memref_slice %arg3[%add3A_151] : memref<160000xi32, #tpu.memory_space<hbm>> -> memref<64xi32, #tpu.memory_space<hbm>>
        tpu.enqueue_dma source(%dma_start3A_169 : memref<64xi32, #tpu.memory_space<hbm>>) target(%dma_start3A_168 : memref<64xi32, #tpu.memory_space<vmem>>) target_semaphore(%arg9 : memref<!tpu.dma_semaphore, #tpu.memory_space<semaphore_mem>>)
        %dma_start3A_170 = arith.constant 0 : i32
        %dma_start3A_171 = arith.constant 0 : i32
        %dma_start3A_172 = tpu.memref_slice %arg8[%sub3A_146, %dma_start3A_170, %dma_start3A_171] : memref<2x192x128xf32, #tpu.memory_space<vmem>> -> memref<1x192x128xf32, #tpu.memory_space<vmem>>
        %dma_start3A_173 = tpu.memref_squeeze %dma_start3A_172 : memref<1x192x128xf32, #tpu.memory_space<vmem>> -> memref<192x128xf32, #tpu.memory_space<vmem>>
        %dma_start3A_174 = tpu.memref_slice %arg2[%add3A_149, %mul3A_0] : memref<160000x256xf32, #tpu.memory_space<hbm>> -> memref<192x128xf32, #tpu.memory_space<hbm>>
        %dma_start3A_175 = arith.constant 0 : i32
        %dma_start3A_176 = arith.constant 0 : i32
        %dma_start3A_177 = tpu.memref_slice %arg8[%sub3A_146, %dma_start3A_175, %dma_start3A_176] : memref<2x192x128xf32, #tpu.memory_space<vmem>> -> memref<1x192x128xf32, #tpu.memory_space<vmem>>
        %dma_start3A_178 = tpu.memref_squeeze %dma_start3A_177 : memref<1x192x128xf32, #tpu.memory_space<vmem>> -> memref<192x128xf32, #tpu.memory_space<vmem>>
        %dma_start3A_179 = tpu.memref_slice %arg2[%add3A_149, %mul3A_0] : memref<160000x256xf32, #tpu.memory_space<hbm>> -> memref<192x128xf32, #tpu.memory_space<hbm>>
        tpu.enqueue_dma source(%dma_start3A_179 : memref<192x128xf32, #tpu.memory_space<hbm>>) target(%dma_start3A_178 : memref<192x128xf32, #tpu.memory_space<vmem>>) target_semaphore(%arg10 : memref<!tpu.dma_semaphore, #tpu.memory_space<semaphore_mem>>)
      } else {
      }
      %dma_start3A_122 = arith.constant 0 : i32
      %dma_start3A_123 = arith.constant 0 : i32
      %dma_start3A_124 = arith.constant 0 : i32
      %dma_start3A_125 = tpu.memref_slice %arg8[%rem3A_77, %dma_start3A_123, %dma_start3A_124] : memref<2x192x128xf32, #tpu.memory_space<vmem>> -> memref<1x128x128xf32, #tpu.memory_space<vmem>>
      %dma_start3A_126 = tpu.memref_squeeze %dma_start3A_125 : memref<1x128x128xf32, #tpu.memory_space<vmem>> -> memref<128x128xf32, #tpu.memory_space<vmem>>
      %dma_start3A_127 = arith.constant 0 : i32
      %dma_start3A_128 = tpu.memref_slice %arg7[%rem3A_77, %dma_start3A_122, %dma_start3A_127] : memref<2x2x128xi32, #tpu.memory_space<vmem>> -> memref<1x1x128xi32, #tpu.memory_space<vmem>>
      %dma_start3A_129 = tpu.memref_squeeze %dma_start3A_128 : memref<1x1x128xi32, #tpu.memory_space<vmem>> -> memref<128xi32, #tpu.memory_space<vmem>>
      %dma_start3A_130 = arith.constant 0 : i32
      %dma_start3A_131 = arith.constant 0 : i32
      %dma_start3A_132 = tpu.memref_slice %arg6[%dma_start3A_130, %dma_start3A_131] : memref<10000x128xf32, #tpu.memory_space<vmem_shared>> -> memref<10000x128xf32, #tpu.memory_space<vmem_shared>>
      tpu.enqueue_indirect_dma source(%dma_start3A_126 : memref<128x128xf32, #tpu.memory_space<vmem>>) target(%dma_start3A_132 : memref<10000x128xf32, #tpu.memory_space<vmem_shared>>) offsets(%dma_start3A_129 : memref<128xi32, #tpu.memory_space<vmem>>) semaphore(%arg11 : memref<!tpu.dma_semaphore, #tpu.memory_space<semaphore_mem>>) {add = true}
      %dma_start3A_133 = arith.constant 1 : i32
      %dma_start3A_134 = arith.constant 128 : i32
      %dma_start3A_135 = arith.constant 0 : i32
      %dma_start3A_136 = tpu.memref_slice %arg8[%rem3A_77, %dma_start3A_134, %dma_start3A_135] : memref<2x192x128xf32, #tpu.memory_space<vmem>> -> memref<1x64x128xf32, #tpu.memory_space<vmem>>
      %dma_start3A_137 = tpu.memref_squeeze %dma_start3A_136 : memref<1x64x128xf32, #tpu.memory_space<vmem>> -> memref<64x128xf32, #tpu.memory_space<vmem>>
      %dma_start3A_138 = arith.constant 0 : i32
      %dma_start3A_139 = tpu.memref_slice %arg7[%rem3A_77, %dma_start3A_133, %dma_start3A_138] : memref<2x2x128xi32, #tpu.memory_space<vmem>> -> memref<1x1x64xi32, #tpu.memory_space<vmem>>
      %dma_start3A_140 = tpu.memref_squeeze %dma_start3A_139 : memref<1x1x64xi32, #tpu.memory_space<vmem>> -> memref<64xi32, #tpu.memory_space<vmem>>
      %dma_start3A_141 = arith.constant 0 : i32
      %dma_start3A_142 = arith.constant 0 : i32
      %dma_start3A_143 = tpu.memref_slice %arg6[%dma_start3A_141, %dma_start3A_142] : memref<10000x128xf32, #tpu.memory_space<vmem_shared>> -> memref<10000x128xf32, #tpu.memory_space<vmem_shared>>
      tpu.enqueue_indirect_dma source(%dma_start3A_137 : memref<64x128xf32, #tpu.memory_space<vmem>>) target(%dma_start3A_143 : memref<10000x128xf32, #tpu.memory_space<vmem_shared>>) offsets(%dma_start3A_140 : memref<64xi32, #tpu.memory_space<vmem>>) semaphore(%arg11 : memref<!tpu.dma_semaphore, #tpu.memory_space<semaphore_mem>>) {add = true}
    }
    %scan3A_41 = arith.constant 52 : i32
    %rem3A = arith.constant 51 : i32
    %rem3A_42 = arith.constant 2 : i32
    %rem3A_43 = arith.remsi %rem3A, %rem3A_42 : i32
    %dma_wait3A = arith.constant 0 : i32
    %dma_wait3A_44 = arith.constant 0 : i32
    %dma_wait3A_45 = arith.constant 0 : i32
    %dma_wait3A_46 = tpu.memref_slice %arg8[%rem3A_43, %dma_wait3A_44, %dma_wait3A_45] : memref<2x192x128xf32, #tpu.memory_space<vmem>> -> memref<1x128x128xf32, #tpu.memory_space<vmem>>
    %dma_wait3A_47 = tpu.memref_squeeze %dma_wait3A_46 : memref<1x128x128xf32, #tpu.memory_space<vmem>> -> memref<128x128xf32, #tpu.memory_space<vmem>>
    %dma_wait3A_48 = arith.constant 0 : i32
    %dma_wait3A_49 = tpu.memref_slice %arg7[%rem3A_43, %dma_wait3A, %dma_wait3A_48] : memref<2x2x128xi32, #tpu.memory_space<vmem>> -> memref<1x1x128xi32, #tpu.memory_space<vmem>>
    %dma_wait3A_50 = tpu.memref_squeeze %dma_wait3A_49 : memref<1x1x128xi32, #tpu.memory_space<vmem>> -> memref<128xi32, #tpu.memory_space<vmem>>
    %dma_wait3A_51 = arith.constant 0 : i32
    %dma_wait3A_52 = arith.constant 0 : i32
    %dma_wait3A_53 = tpu.memref_slice %arg6[%dma_wait3A_51, %dma_wait3A_52] : memref<10000x128xf32, #tpu.memory_space<vmem_shared>> -> memref<10000x128xf32, #tpu.memory_space<vmem_shared>>
    tpu.wait_indirect_dma semaphore(%arg11 : memref<!tpu.dma_semaphore, #tpu.memory_space<semaphore_mem>>) src(%dma_wait3A_47 : memref<128x128xf32, #tpu.memory_space<vmem>>) dst(%dma_wait3A_53 : memref<10000x128xf32, #tpu.memory_space<vmem_shared>>)
    %dma_wait3A_54 = arith.constant 1 : i32
    %dma_wait3A_55 = arith.constant 128 : i32
    %dma_wait3A_56 = arith.constant 0 : i32
    %dma_wait3A_57 = tpu.memref_slice %arg8[%rem3A_43, %dma_wait3A_55, %dma_wait3A_56] : memref<2x192x128xf32, #tpu.memory_space<vmem>> -> memref<1x64x128xf32, #tpu.memory_space<vmem>>
    %dma_wait3A_58 = tpu.memref_squeeze %dma_wait3A_57 : memref<1x64x128xf32, #tpu.memory_space<vmem>> -> memref<64x128xf32, #tpu.memory_space<vmem>>
    %dma_wait3A_59 = arith.constant 0 : i32
    %dma_wait3A_60 = tpu.memref_slice %arg7[%rem3A_43, %dma_wait3A_54, %dma_wait3A_59] : memref<2x2x128xi32, #tpu.memory_space<vmem>> -> memref<1x1x64xi32, #tpu.memory_space<vmem>>
    %dma_wait3A_61 = tpu.memref_squeeze %dma_wait3A_60 : memref<1x1x64xi32, #tpu.memory_space<vmem>> -> memref<64xi32, #tpu.memory_space<vmem>>
    %dma_wait3A_62 = arith.constant 0 : i32
    %dma_wait3A_63 = arith.constant 0 : i32
    %dma_wait3A_64 = tpu.memref_slice %arg6[%dma_wait3A_62, %dma_wait3A_63] : memref<10000x128xf32, #tpu.memory_space<vmem_shared>> -> memref<10000x128xf32, #tpu.memory_space<vmem_shared>>
    tpu.wait_indirect_dma semaphore(%arg11 : memref<!tpu.dma_semaphore, #tpu.memory_space<semaphore_mem>>) src(%dma_wait3A_58 : memref<64x128xf32, #tpu.memory_space<vmem>>) dst(%dma_wait3A_64 : memref<10000x128xf32, #tpu.memory_space<vmem_shared>>)
    %eq3A = arith.constant 0 : i32
    %eq3A_65 = arith.cmpi eq, %arg1, %eq3A : i32
    %convert_element_type3A_66 = arith.extui %eq3A_65 : i1 to i32
    %cond3A_67 = arith.constant 0 : i32
    %cond3A_68 = arith.cmpi ne, %convert_element_type3A_66, %cond3A_67 : i32
    scf.if %cond3A_68 {
      %run_scoped3A = arith.constant 0 : i32
      %run_scoped3A_75 = arith.constant 0 : i32
      "tpu.region"() ({
        %run_scoped3A_86 = tpu.sem_alloc : memref<!tpu.dma_semaphore, #tpu.memory_space<semaphore_mem>>
        %dma_start3A_87 = arith.constant 0 : i32
        %dma_start3A_88 = tpu.memref_slice %arg7[%run_scoped3A, %run_scoped3A_75, %dma_start3A_87] : memref<2x2x128xi32, #tpu.memory_space<vmem>> -> memref<1x1x128xi32, #tpu.memory_space<vmem>>
        %dma_start3A_89 = tpu.memref_squeeze %dma_start3A_88 : memref<1x1x128xi32, #tpu.memory_space<vmem>> -> memref<128xi32, #tpu.memory_space<vmem>>
        %dma_start3A_90 = arith.constant 159744 : i32
        %dma_start3A_91 = tpu.memref_slice %arg3[%dma_start3A_90] : memref<160000xi32, #tpu.memory_space<hbm>> -> memref<128xi32, #tpu.memory_space<hbm>>
        %dma_start3A_92 = arith.constant 0 : i32
        %dma_start3A_93 = tpu.memref_slice %arg7[%run_scoped3A, %run_scoped3A_75, %dma_start3A_92] : memref<2x2x128xi32, #tpu.memory_space<vmem>> -> memref<1x1x128xi32, #tpu.memory_space<vmem>>
        %dma_start3A_94 = tpu.memref_squeeze %dma_start3A_93 : memref<1x1x128xi32, #tpu.memory_space<vmem>> -> memref<128xi32, #tpu.memory_space<vmem>>
        %dma_start3A_95 = arith.constant 159744 : i32
        %dma_start3A_96 = tpu.memref_slice %arg3[%dma_start3A_95] : memref<160000xi32, #tpu.memory_space<hbm>> -> memref<128xi32, #tpu.memory_space<hbm>>
        tpu.enqueue_dma source(%dma_start3A_96 : memref<128xi32, #tpu.memory_space<hbm>>) target(%dma_start3A_94 : memref<128xi32, #tpu.memory_space<vmem>>) target_semaphore(%run_scoped3A_86 : memref<!tpu.dma_semaphore, #tpu.memory_space<semaphore_mem>>)
        %dma_wait3A_97 = arith.constant 0 : i32
        %dma_wait3A_98 = tpu.memref_slice %arg7[%run_scoped3A, %run_scoped3A_75, %dma_wait3A_97] : memref<2x2x128xi32, #tpu.memory_space<vmem>> -> memref<1x1x128xi32, #tpu.memory_space<vmem>>
        %dma_wait3A_99 = tpu.memref_squeeze %dma_wait3A_98 : memref<1x1x128xi32, #tpu.memory_space<vmem>> -> memref<128xi32, #tpu.memory_space<vmem>>
        %dma_wait3A_100 = arith.constant 159744 : i32
        %dma_wait3A_101 = tpu.memref_slice %arg3[%dma_wait3A_100] : memref<160000xi32, #tpu.memory_space<hbm>> -> memref<128xi32, #tpu.memory_space<hbm>>
        %dma_wait3A_102 = arith.constant 0 : i32
        %dma_wait3A_103 = tpu.memref_slice %arg7[%run_scoped3A, %run_scoped3A_75, %dma_wait3A_102] : memref<2x2x128xi32, #tpu.memory_space<vmem>> -> memref<1x1x128xi32, #tpu.memory_space<vmem>>
        %dma_wait3A_104 = tpu.memref_squeeze %dma_wait3A_103 : memref<1x1x128xi32, #tpu.memory_space<vmem>> -> memref<128xi32, #tpu.memory_space<vmem>>
        %dma_wait3A_105 = arith.constant 159744 : i32
        %dma_wait3A_106 = tpu.memref_slice %arg3[%dma_wait3A_105] : memref<160000xi32, #tpu.memory_space<hbm>> -> memref<128xi32, #tpu.memory_space<hbm>>
        tpu.wait_dma2 semaphore(%run_scoped3A_86 : memref<!tpu.dma_semaphore, #tpu.memory_space<semaphore_mem>>) src(%dma_wait3A_106 : memref<128xi32, #tpu.memory_space<hbm>>) dst(%dma_wait3A_104 : memref<128xi32, #tpu.memory_space<vmem>>)
        tpu.yield
      }) : () -> ()
      %run_scoped3A_76 = arith.constant 0 : i32
      %run_scoped3A_77 = arith.constant 1 : i32
      "tpu.region"() ({
        %run_scoped3A_86 = tpu.sem_alloc : memref<!tpu.dma_semaphore, #tpu.memory_space<semaphore_mem>>
        %dma_start3A_87 = arith.constant 0 : i32
        %dma_start3A_88 = tpu.memref_slice %arg7[%run_scoped3A_76, %run_scoped3A_77, %dma_start3A_87] : memref<2x2x128xi32, #tpu.memory_space<vmem>> -> memref<1x1x128xi32, #tpu.memory_space<vmem>>
        %dma_start3A_89 = tpu.memref_squeeze %dma_start3A_88 : memref<1x1x128xi32, #tpu.memory_space<vmem>> -> memref<128xi32, #tpu.memory_space<vmem>>
        %dma_start3A_90 = arith.constant 159872 : i32
        %dma_start3A_91 = tpu.memref_slice %arg3[%dma_start3A_90] : memref<160000xi32, #tpu.memory_space<hbm>> -> memref<128xi32, #tpu.memory_space<hbm>>
        %dma_start3A_92 = arith.constant 0 : i32
        %dma_start3A_93 = tpu.memref_slice %arg7[%run_scoped3A_76, %run_scoped3A_77, %dma_start3A_92] : memref<2x2x128xi32, #tpu.memory_space<vmem>> -> memref<1x1x128xi32, #tpu.memory_space<vmem>>
        %dma_start3A_94 = tpu.memref_squeeze %dma_start3A_93 : memref<1x1x128xi32, #tpu.memory_space<vmem>> -> memref<128xi32, #tpu.memory_space<vmem>>
        %dma_start3A_95 = arith.constant 159872 : i32
        %dma_start3A_96 = tpu.memref_slice %arg3[%dma_start3A_95] : memref<160000xi32, #tpu.memory_space<hbm>> -> memref<128xi32, #tpu.memory_space<hbm>>
        tpu.enqueue_dma source(%dma_start3A_96 : memref<128xi32, #tpu.memory_space<hbm>>) target(%dma_start3A_94 : memref<128xi32, #tpu.memory_space<vmem>>) target_semaphore(%run_scoped3A_86 : memref<!tpu.dma_semaphore, #tpu.memory_space<semaphore_mem>>)
        %dma_wait3A_97 = arith.constant 0 : i32
        %dma_wait3A_98 = tpu.memref_slice %arg7[%run_scoped3A_76, %run_scoped3A_77, %dma_wait3A_97] : memref<2x2x128xi32, #tpu.memory_space<vmem>> -> memref<1x1x128xi32, #tpu.memory_space<vmem>>
        %dma_wait3A_99 = tpu.memref_squeeze %dma_wait3A_98 : memref<1x1x128xi32, #tpu.memory_space<vmem>> -> memref<128xi32, #tpu.memory_space<vmem>>
        %dma_wait3A_100 = arith.constant 159872 : i32
        %dma_wait3A_101 = tpu.memref_slice %arg3[%dma_wait3A_100] : memref<160000xi32, #tpu.memory_space<hbm>> -> memref<128xi32, #tpu.memory_space<hbm>>
        %dma_wait3A_102 = arith.constant 0 : i32
        %dma_wait3A_103 = tpu.memref_slice %arg7[%run_scoped3A_76, %run_scoped3A_77, %dma_wait3A_102] : memref<2x2x128xi32, #tpu.memory_space<vmem>> -> memref<1x1x128xi32, #tpu.memory_space<vmem>>
        %dma_wait3A_104 = tpu.memref_squeeze %dma_wait3A_103 : memref<1x1x128xi32, #tpu.memory_space<vmem>> -> memref<128xi32, #tpu.memory_space<vmem>>
        %dma_wait3A_105 = arith.constant 159872 : i32
        %dma_wait3A_106 = tpu.memref_slice %arg3[%dma_wait3A_105] : memref<160000xi32, #tpu.memory_space<hbm>> -> memref<128xi32, #tpu.memory_space<hbm>>
        tpu.wait_dma2 semaphore(%run_scoped3A_86 : memref<!tpu.dma_semaphore, #tpu.memory_space<semaphore_mem>>) src(%dma_wait3A_106 : memref<128xi32, #tpu.memory_space<hbm>>) dst(%dma_wait3A_104 : memref<128xi32, #tpu.memory_space<vmem>>)
        tpu.yield
      }) : () -> ()
      %run_scoped3A_78 = arith.constant 0 : i32
      "tpu.region"() ({
        %run_scoped3A_86 = tpu.sem_alloc : memref<!tpu.dma_semaphore, #tpu.memory_space<semaphore_mem>>
        %dma_start3A_87 = arith.constant 0 : i32
        %dma_start3A_88 = arith.constant 0 : i32
        %dma_start3A_89 = tpu.memref_slice %arg8[%run_scoped3A_78, %dma_start3A_87, %dma_start3A_88] : memref<2x192x128xf32, #tpu.memory_space<vmem>> -> memref<1x128x128xf32, #tpu.memory_space<vmem>>
        %dma_start3A_90 = tpu.memref_squeeze %dma_start3A_89 : memref<1x128x128xf32, #tpu.memory_space<vmem>> -> memref<128x128xf32, #tpu.memory_space<vmem>>
        %dma_start3A_91 = arith.constant 159744 : i32
        %dma_start3A_92 = tpu.memref_slice %arg2[%dma_start3A_91, %mul3A_0] : memref<160000x256xf32, #tpu.memory_space<hbm>> -> memref<128x128xf32, #tpu.memory_space<hbm>>
        %dma_start3A_93 = arith.constant 0 : i32
        %dma_start3A_94 = arith.constant 0 : i32
        %dma_start3A_95 = tpu.memref_slice %arg8[%run_scoped3A_78, %dma_start3A_93, %dma_start3A_94] : memref<2x192x128xf32, #tpu.memory_space<vmem>> -> memref<1x128x128xf32, #tpu.memory_space<vmem>>
        %dma_start3A_96 = tpu.memref_squeeze %dma_start3A_95 : memref<1x128x128xf32, #tpu.memory_space<vmem>> -> memref<128x128xf32, #tpu.memory_space<vmem>>
        %dma_start3A_97 = arith.constant 159744 : i32
        %dma_start3A_98 = tpu.memref_slice %arg2[%dma_start3A_97, %mul3A_0] : memref<160000x256xf32, #tpu.memory_space<hbm>> -> memref<128x128xf32, #tpu.memory_space<hbm>>
        tpu.enqueue_dma source(%dma_start3A_98 : memref<128x128xf32, #tpu.memory_space<hbm>>) target(%dma_start3A_96 : memref<128x128xf32, #tpu.memory_space<vmem>>) target_semaphore(%run_scoped3A_86 : memref<!tpu.dma_semaphore, #tpu.memory_space<semaphore_mem>>)
        %dma_wait3A_99 = arith.constant 0 : i32
        %dma_wait3A_100 = arith.constant 0 : i32
        %dma_wait3A_101 = tpu.memref_slice %arg8[%run_scoped3A_78, %dma_wait3A_99, %dma_wait3A_100] : memref<2x192x128xf32, #tpu.memory_space<vmem>> -> memref<1x128x128xf32, #tpu.memory_space<vmem>>
        %dma_wait3A_102 = tpu.memref_squeeze %dma_wait3A_101 : memref<1x128x128xf32, #tpu.memory_space<vmem>> -> memref<128x128xf32, #tpu.memory_space<vmem>>
        %dma_wait3A_103 = arith.constant 159744 : i32
        %dma_wait3A_104 = tpu.memref_slice %arg2[%dma_wait3A_103, %mul3A_0] : memref<160000x256xf32, #tpu.memory_space<hbm>> -> memref<128x128xf32, #tpu.memory_space<hbm>>
        %dma_wait3A_105 = arith.constant 0 : i32
        %dma_wait3A_106 = arith.constant 0 : i32
        %dma_wait3A_107 = tpu.memref_slice %arg8[%run_scoped3A_78, %dma_wait3A_105, %dma_wait3A_106] : memref<2x192x128xf32, #tpu.memory_space<vmem>> -> memref<1x128x128xf32, #tpu.memory_space<vmem>>
        %dma_wait3A_108 = tpu.memref_squeeze %dma_wait3A_107 : memref<1x128x128xf32, #tpu.memory_space<vmem>> -> memref<128x128xf32, #tpu.memory_space<vmem>>
        %dma_wait3A_109 = arith.constant 159744 : i32
        %dma_wait3A_110 = tpu.memref_slice %arg2[%dma_wait3A_109, %mul3A_0] : memref<160000x256xf32, #tpu.memory_space<hbm>> -> memref<128x128xf32, #tpu.memory_space<hbm>>
        tpu.wait_dma2 semaphore(%run_scoped3A_86 : memref<!tpu.dma_semaphore, #tpu.memory_space<semaphore_mem>>) src(%dma_wait3A_110 : memref<128x128xf32, #tpu.memory_space<hbm>>) dst(%dma_wait3A_108 : memref<128x128xf32, #tpu.memory_space<vmem>>)
        tpu.yield
      }) : () -> ()
      %run_scoped3A_79 = arith.constant 1 : i32
      "tpu.region"() ({
        %run_scoped3A_86 = tpu.sem_alloc : memref<!tpu.dma_semaphore, #tpu.memory_space<semaphore_mem>>
        %dma_start3A_87 = arith.constant 0 : i32
        %dma_start3A_88 = arith.constant 0 : i32
        %dma_start3A_89 = tpu.memref_slice %arg8[%run_scoped3A_79, %dma_start3A_87, %dma_start3A_88] : memref<2x192x128xf32, #tpu.memory_space<vmem>> -> memref<1x128x128xf32, #tpu.memory_space<vmem>>
        %dma_start3A_90 = tpu.memref_squeeze %dma_start3A_89 : memref<1x128x128xf32, #tpu.memory_space<vmem>> -> memref<128x128xf32, #tpu.memory_space<vmem>>
        %dma_start3A_91 = arith.constant 159872 : i32
        %dma_start3A_92 = tpu.memref_slice %arg2[%dma_start3A_91, %mul3A_0] : memref<160000x256xf32, #tpu.memory_space<hbm>> -> memref<128x128xf32, #tpu.memory_space<hbm>>
        %dma_start3A_93 = arith.constant 0 : i32
        %dma_start3A_94 = arith.constant 0 : i32
        %dma_start3A_95 = tpu.memref_slice %arg8[%run_scoped3A_79, %dma_start3A_93, %dma_start3A_94] : memref<2x192x128xf32, #tpu.memory_space<vmem>> -> memref<1x128x128xf32, #tpu.memory_space<vmem>>
        %dma_start3A_96 = tpu.memref_squeeze %dma_start3A_95 : memref<1x128x128xf32, #tpu.memory_space<vmem>> -> memref<128x128xf32, #tpu.memory_space<vmem>>
        %dma_start3A_97 = arith.constant 159872 : i32
        %dma_start3A_98 = tpu.memref_slice %arg2[%dma_start3A_97, %mul3A_0] : memref<160000x256xf32, #tpu.memory_space<hbm>> -> memref<128x128xf32, #tpu.memory_space<hbm>>
        tpu.enqueue_dma source(%dma_start3A_98 : memref<128x128xf32, #tpu.memory_space<hbm>>) target(%dma_start3A_96 : memref<128x128xf32, #tpu.memory_space<vmem>>) target_semaphore(%run_scoped3A_86 : memref<!tpu.dma_semaphore, #tpu.memory_space<semaphore_mem>>)
        %dma_wait3A_99 = arith.constant 0 : i32
        %dma_wait3A_100 = arith.constant 0 : i32
        %dma_wait3A_101 = tpu.memref_slice %arg8[%run_scoped3A_79, %dma_wait3A_99, %dma_wait3A_100] : memref<2x192x128xf32, #tpu.memory_space<vmem>> -> memref<1x128x128xf32, #tpu.memory_space<vmem>>
        %dma_wait3A_102 = tpu.memref_squeeze %dma_wait3A_101 : memref<1x128x128xf32, #tpu.memory_space<vmem>> -> memref<128x128xf32, #tpu.memory_space<vmem>>
        %dma_wait3A_103 = arith.constant 159872 : i32
        %dma_wait3A_104 = tpu.memref_slice %arg2[%dma_wait3A_103, %mul3A_0] : memref<160000x256xf32, #tpu.memory_space<hbm>> -> memref<128x128xf32, #tpu.memory_space<hbm>>
        %dma_wait3A_105 = arith.constant 0 : i32
        %dma_wait3A_106 = arith.constant 0 : i32
        %dma_wait3A_107 = tpu.memref_slice %arg8[%run_scoped3A_79, %dma_wait3A_105, %dma_wait3A_106] : memref<2x192x128xf32, #tpu.memory_space<vmem>> -> memref<1x128x128xf32, #tpu.memory_space<vmem>>
        %dma_wait3A_108 = tpu.memref_squeeze %dma_wait3A_107 : memref<1x128x128xf32, #tpu.memory_space<vmem>> -> memref<128x128xf32, #tpu.memory_space<vmem>>
        %dma_wait3A_109 = arith.constant 159872 : i32
        %dma_wait3A_110 = tpu.memref_slice %arg2[%dma_wait3A_109, %mul3A_0] : memref<160000x256xf32, #tpu.memory_space<hbm>> -> memref<128x128xf32, #tpu.memory_space<hbm>>
        tpu.wait_dma2 semaphore(%run_scoped3A_86 : memref<!tpu.dma_semaphore, #tpu.memory_space<semaphore_mem>>) src(%dma_wait3A_110 : memref<128x128xf32, #tpu.memory_space<hbm>>) dst(%dma_wait3A_108 : memref<128x128xf32, #tpu.memory_space<vmem>>)
        tpu.yield
      }) : () -> ()
      %run_scoped3A_80 = arith.constant 0 : i32
      %run_scoped3A_81 = arith.constant 0 : i32
      %run_scoped3A_82 = arith.constant 0 : i32
      "tpu.region"() ({
        %run_scoped3A_86 = tpu.sem_alloc : memref<!tpu.dma_semaphore, #tpu.memory_space<semaphore_mem>>
        %dma_start3A_87 = arith.constant 0 : i32
        %dma_start3A_88 = arith.constant 0 : i32
        %dma_start3A_89 = tpu.memref_slice %arg8[%run_scoped3A_80, %dma_start3A_87, %dma_start3A_88] : memref<2x192x128xf32, #tpu.memory_space<vmem>> -> memref<1x128x128xf32, #tpu.memory_space<vmem>>
        %dma_start3A_90 = tpu.memref_squeeze %dma_start3A_89 : memref<1x128x128xf32, #tpu.memory_space<vmem>> -> memref<128x128xf32, #tpu.memory_space<vmem>>
        %dma_start3A_91 = arith.constant 0 : i32
        %dma_start3A_92 = tpu.memref_slice %arg7[%run_scoped3A_81, %run_scoped3A_82, %dma_start3A_91] : memref<2x2x128xi32, #tpu.memory_space<vmem>> -> memref<1x1x128xi32, #tpu.memory_space<vmem>>
        %dma_start3A_93 = tpu.memref_squeeze %dma_start3A_92 : memref<1x1x128xi32, #tpu.memory_space<vmem>> -> memref<128xi32, #tpu.memory_space<vmem>>
        %dma_start3A_94 = arith.constant 0 : i32
        %dma_start3A_95 = arith.constant 0 : i32
        %dma_start3A_96 = tpu.memref_slice %arg6[%dma_start3A_94, %dma_start3A_95] : memref<10000x128xf32, #tpu.memory_space<vmem_shared>> -> memref<10000x128xf32, #tpu.memory_space<vmem_shared>>
        tpu.enqueue_indirect_dma source(%dma_start3A_90 : memref<128x128xf32, #tpu.memory_space<vmem>>) target(%dma_start3A_96 : memref<10000x128xf32, #tpu.memory_space<vmem_shared>>) offsets(%dma_start3A_93 : memref<128xi32, #tpu.memory_space<vmem>>) semaphore(%run_scoped3A_86 : memref<!tpu.dma_semaphore, #tpu.memory_space<semaphore_mem>>) {add = true}
        %dma_wait3A_97 = arith.constant 0 : i32
        %dma_wait3A_98 = arith.constant 0 : i32
        %dma_wait3A_99 = tpu.memref_slice %arg8[%run_scoped3A_80, %dma_wait3A_97, %dma_wait3A_98] : memref<2x192x128xf32, #tpu.memory_space<vmem>> -> memref<1x128x128xf32, #tpu.memory_space<vmem>>
        %dma_wait3A_100 = tpu.memref_squeeze %dma_wait3A_99 : memref<1x128x128xf32, #tpu.memory_space<vmem>> -> memref<128x128xf32, #tpu.memory_space<vmem>>
        %dma_wait3A_101 = arith.constant 0 : i32
        %dma_wait3A_102 = tpu.memref_slice %arg7[%run_scoped3A_81, %run_scoped3A_82, %dma_wait3A_101] : memref<2x2x128xi32, #tpu.memory_space<vmem>> -> memref<1x1x128xi32, #tpu.memory_space<vmem>>
        %dma_wait3A_103 = tpu.memref_squeeze %dma_wait3A_102 : memref<1x1x128xi32, #tpu.memory_space<vmem>> -> memref<128xi32, #tpu.memory_space<vmem>>
        %dma_wait3A_104 = arith.constant 0 : i32
        %dma_wait3A_105 = arith.constant 0 : i32
        %dma_wait3A_106 = tpu.memref_slice %arg6[%dma_wait3A_104, %dma_wait3A_105] : memref<10000x128xf32, #tpu.memory_space<vmem_shared>> -> memref<10000x128xf32, #tpu.memory_space<vmem_shared>>
        tpu.wait_indirect_dma semaphore(%run_scoped3A_86 : memref<!tpu.dma_semaphore, #tpu.memory_space<semaphore_mem>>) src(%dma_wait3A_100 : memref<128x128xf32, #tpu.memory_space<vmem>>) dst(%dma_wait3A_106 : memref<10000x128xf32, #tpu.memory_space<vmem_shared>>)
        tpu.yield
      }) : () -> ()
      %run_scoped3A_83 = arith.constant 1 : i32
      %run_scoped3A_84 = arith.constant 0 : i32
      %run_scoped3A_85 = arith.constant 1 : i32
      "tpu.region"() ({
        %run_scoped3A_86 = tpu.sem_alloc : memref<!tpu.dma_semaphore, #tpu.memory_space<semaphore_mem>>
        %dma_start3A_87 = arith.constant 0 : i32
        %dma_start3A_88 = arith.constant 0 : i32
        %dma_start3A_89 = tpu.memref_slice %arg8[%run_scoped3A_83, %dma_start3A_87, %dma_start3A_88] : memref<2x192x128xf32, #tpu.memory_space<vmem>> -> memref<1x128x128xf32, #tpu.memory_space<vmem>>
        %dma_start3A_90 = tpu.memref_squeeze %dma_start3A_89 : memref<1x128x128xf32, #tpu.memory_space<vmem>> -> memref<128x128xf32, #tpu.memory_space<vmem>>
        %dma_start3A_91 = arith.constant 0 : i32
        %dma_start3A_92 = tpu.memref_slice %arg7[%run_scoped3A_84, %run_scoped3A_85, %dma_start3A_91] : memref<2x2x128xi32, #tpu.memory_space<vmem>> -> memref<1x1x128xi32, #tpu.memory_space<vmem>>
        %dma_start3A_93 = tpu.memref_squeeze %dma_start3A_92 : memref<1x1x128xi32, #tpu.memory_space<vmem>> -> memref<128xi32, #tpu.memory_space<vmem>>
        %dma_start3A_94 = arith.constant 0 : i32
        %dma_start3A_95 = arith.constant 0 : i32
        %dma_start3A_96 = tpu.memref_slice %arg6[%dma_start3A_94, %dma_start3A_95] : memref<10000x128xf32, #tpu.memory_space<vmem_shared>> -> memref<10000x128xf32, #tpu.memory_space<vmem_shared>>
        tpu.enqueue_indirect_dma source(%dma_start3A_90 : memref<128x128xf32, #tpu.memory_space<vmem>>) target(%dma_start3A_96 : memref<10000x128xf32, #tpu.memory_space<vmem_shared>>) offsets(%dma_start3A_93 : memref<128xi32, #tpu.memory_space<vmem>>) semaphore(%run_scoped3A_86 : memref<!tpu.dma_semaphore, #tpu.memory_space<semaphore_mem>>) {add = true}
        %dma_wait3A_97 = arith.constant 0 : i32
        %dma_wait3A_98 = arith.constant 0 : i32
        %dma_wait3A_99 = tpu.memref_slice %arg8[%run_scoped3A_83, %dma_wait3A_97, %dma_wait3A_98] : memref<2x192x128xf32, #tpu.memory_space<vmem>> -> memref<1x128x128xf32, #tpu.memory_space<vmem>>
        %dma_wait3A_100 = tpu.memref_squeeze %dma_wait3A_99 : memref<1x128x128xf32, #tpu.memory_space<vmem>> -> memref<128x128xf32, #tpu.memory_space<vmem>>
        %dma_wait3A_101 = arith.constant 0 : i32
        %dma_wait3A_102 = tpu.memref_slice %arg7[%run_scoped3A_84, %run_scoped3A_85, %dma_wait3A_101] : memref<2x2x128xi32, #tpu.memory_space<vmem>> -> memref<1x1x128xi32, #tpu.memory_space<vmem>>
        %dma_wait3A_103 = tpu.memref_squeeze %dma_wait3A_102 : memref<1x1x128xi32, #tpu.memory_space<vmem>> -> memref<128xi32, #tpu.memory_space<vmem>>
        %dma_wait3A_104 = arith.constant 0 : i32
        %dma_wait3A_105 = arith.constant 0 : i32
        %dma_wait3A_106 = tpu.memref_slice %arg6[%dma_wait3A_104, %dma_wait3A_105] : memref<10000x128xf32, #tpu.memory_space<vmem_shared>> -> memref<10000x128xf32, #tpu.memory_space<vmem_shared>>
        tpu.wait_indirect_dma semaphore(%run_scoped3A_86 : memref<!tpu.dma_semaphore, #tpu.memory_space<semaphore_mem>>) src(%dma_wait3A_100 : memref<128x128xf32, #tpu.memory_space<vmem>>) dst(%dma_wait3A_106 : memref<10000x128xf32, #tpu.memory_space<vmem_shared>>)
        tpu.yield
      }) : () -> ()
    } else {
    }
    %barrier3A_69 = arith.constant 0 : index
    tpu.barrier barrier_id(%barrier3A_69)
    %lt3A_70 = arith.constant 10 : i32
    %lt3A_71 = arith.cmpi slt, %arg1, %lt3A_70 : i32
    %convert_element_type3A_72 = arith.extui %lt3A_71 : i1 to i32
    %cond3A_73 = arith.constant 0 : i32
    %cond3A_74 = arith.cmpi ne, %convert_element_type3A_72, %cond3A_73 : i32
    scf.if %cond3A_74 {
      %mul3A_75 = arith.constant 1000 : i32
      %mul3A_76 = arith.muli %arg1, %mul3A_75 : i32
      %mul3A_77 = arith.constant 1000 : i32
      %mul3A_78 = arith.muli %arg1, %mul3A_77 : i32
      "tpu.region"() ({
        %run_scoped3A = tpu.sem_alloc : memref<!tpu.dma_semaphore, #tpu.memory_space<semaphore_mem>>
        %dma_start3A_79 = tpu.memref_slice %arg5[%mul3A_78, %mul3A_0] : memref<10000x256xf32, #tpu.memory_space<hbm>> -> memref<1000x128xf32, #tpu.memory_space<hbm>>
        %dma_start3A_80 = arith.constant 0 : i32
        %dma_start3A_81 = tpu.memref_slice %arg6[%mul3A_76, %dma_start3A_80] : memref<10000x128xf32, #tpu.memory_space<vmem_shared>> -> memref<1000x128xf32, #tpu.memory_space<vmem_shared>>
        tpu.enqueue_dma source(%dma_start3A_81 : memref<1000x128xf32, #tpu.memory_space<vmem_shared>>) target(%dma_start3A_79 : memref<1000x128xf32, #tpu.memory_space<hbm>>) target_semaphore(%run_scoped3A : memref<!tpu.dma_semaphore, #tpu.memory_space<semaphore_mem>>)
        %dma_wait3A_82 = tpu.memref_slice %arg5[%mul3A_78, %mul3A_0] : memref<10000x256xf32, #tpu.memory_space<hbm>> -> memref<1000x128xf32, #tpu.memory_space<hbm>>
        %dma_wait3A_83 = arith.constant 0 : i32
        %dma_wait3A_84 = tpu.memref_slice %arg6[%mul3A_76, %dma_wait3A_83] : memref<10000x128xf32, #tpu.memory_space<vmem_shared>> -> memref<1000x128xf32, #tpu.memory_space<vmem_shared>>
        tpu.wait_dma2 semaphore(%run_scoped3A : memref<!tpu.dma_semaphore, #tpu.memory_space<semaphore_mem>>) src(%dma_wait3A_84 : memref<1000x128xf32, #tpu.memory_space<vmem_shared>>) dst(%dma_wait3A_82 : memref<1000x128xf32, #tpu.memory_space<hbm>>)
        tpu.yield
      }) : () -> ()
    } else {
    }
    return
  }
}

module attributes {stable_mosaic.version = 14 : i64} {
  func.func @_div_body(%arg0: i32, %arg1: memref<2000x256xf32, #tpu.memory_space<vmem>>, %arg2: memref<2000x256xf32, #tpu.memory_space<vmem>>, %arg3: memref<2000x256xf32, #tpu.memory_space<vmem>>) attributes {dimension_semantics = [#tpu.dimension_semantics<arbitrary>], iteration_bounds = array<i64: 5>, scalar_prefetch = 0 : i64, scratch_operands = 0 : i64, tpu.core_type = #tpu.core_type<tc>, window_params = [{transform_indices = @transform_0, window_bounds = array<i64: 2000, 256>}, {transform_indices = @transform_1, window_bounds = array<i64: 2000, 256>}, {transform_indices = @transform_2, window_bounds = array<i64: 2000, 256>}]} {
    %get3A = arith.constant 0 : index
    %get3A_0 = arith.constant 0 : index
    %get3A_1 = vector.load %arg1[%get3A, %get3A_0] : memref<2000x256xf32, #tpu.memory_space<vmem>>, vector<2000x256xf32>
    %get3A_2 = arith.constant 0 : index
    %get3A_3 = arith.constant 0 : index
    %get3A_4 = vector.load %arg2[%get3A_2, %get3A_3] : memref<2000x256xf32, #tpu.memory_space<vmem>>, vector<2000x256xf32>
    %max3A = arith.constant 1.000000e-30 : f32
    %max3A_5 = vector.broadcast %max3A : f32 to vector<2000x256xf32>
    %max3A_6 = arith.maximumf %get3A_4, %max3A_5 : vector<2000x256xf32>
    %div3A = arith.divf %get3A_1, %max3A_6 : vector<2000x256xf32>
    %swap3A = arith.constant 0 : index
    %swap3A_7 = arith.constant 0 : index
    %swap3A_8 = vector.load %arg3[%swap3A, %swap3A_7] : memref<2000x256xf32, #tpu.memory_space<vmem>>, vector<2000x256xf32>
    tpu.vector_store %arg3[%swap3A, %swap3A_7], %div3A {strides = array<i32>} : memref<2000x256xf32, #tpu.memory_space<vmem>>, vector<2000x256xf32>,
    return
  }
  func.func @transform_0(%arg0: i32) -> (i32, i32) {
    %c0_i32 = arith.constant 0 : i32
    %c0_i32_0 = arith.constant 0 : i32
    return %arg0, %c0_i32 : i32, i32
  }
  func.func @transform_1(%arg0: i32) -> (i32, i32) {
    %c0_i32 = arith.constant 0 : i32
    %c0_i32_0 = arith.constant 0 : i32
    return %arg0, %c0_i32 : i32, i32
  }
  func.func @transform_2(%arg0: i32) -> (i32, i32) {
    %c0_i32 = arith.constant 0 : i32
    %c0_i32_0 = arith.constant 0 : i32
    return %arg0, %c0_i32 : i32, i32
  }
}

module attributes {stable_mosaic.version = 14 : i64} {
  func.func @_dense_xe_body(%arg0: i32, %arg1: memref<256x256xf32, #tpu.memory_space<vmem>>, %arg2: memref<8000x256xf32, #tpu.memory_space<vmem>>, %arg3: memref<8000x256xf32, #tpu.memory_space<vmem>>) attributes {dimension_semantics = [#tpu.dimension_semantics<arbitrary>], iteration_bounds = array<i64: 20>, scalar_prefetch = 0 : i64, scratch_operands = 0 : i64, tpu.core_type = #tpu.core_type<tc>, window_params = [{pipeline_mode = #tpu.pipeline_mode<synchronous>, transform_indices = @transform_0, window_bounds = array<i64: 256, 256>}, {transform_indices = @transform_1, window_bounds = array<i64: 8000, 256>}, {transform_indices = @transform_2, window_bounds = array<i64: 8000, 256>}]} {
    %get3A = arith.constant 0 : index
    %get3A_0 = arith.constant 0 : index
    %get3A_1 = vector.load %arg2[%get3A, %get3A_0] : memref<8000x256xf32, #tpu.memory_space<vmem>>, vector<8000x256xf32>
    %get3A_2 = arith.constant 0 : index
    %get3A_3 = arith.constant 0 : index
    %get3A_4 = vector.load %arg1[%get3A_2, %get3A_3] : memref<256x256xf32, #tpu.memory_space<vmem>>, vector<256x256xf32>
    %dot_general3A = arith.constant dense<0.000000e+00> : vector<8000x256xf32>
    %dot_general3A_5 = tpu.matmul %get3A_1, %get3A_4, %dot_general3A {dimension_numbers = #tpu.dot_dimension_numbers<[1], [0], [0], [1], [0, 0, 1, 1], [], []>, transpose_lhs_hint = false} : vector<8000x256xf32>, vector<256x256xf32>, vector<8000x256xf32> -> vector<8000x256xf32>
    %exp3A = math.exp %dot_general3A_5 : vector<8000x256xf32>
    %mul3A = arith.mulf %get3A_1, %exp3A : vector<8000x256xf32>
    %swap3A = arith.constant 0 : index
    %swap3A_6 = arith.constant 0 : index
    %swap3A_7 = vector.load %arg3[%swap3A, %swap3A_6] : memref<8000x256xf32, #tpu.memory_space<vmem>>, vector<8000x256xf32>
    tpu.vector_store %arg3[%swap3A, %swap3A_6], %mul3A {strides = array<i32>} : memref<8000x256xf32, #tpu.memory_space<vmem>>, vector<8000x256xf32>,
    return
  }
  func.func @transform_0(%arg0: i32) -> (i32, i32) {
    %c0_i32 = arith.constant 0 : i32
    %c0_i32_0 = arith.constant 0 : i32
    %c0_i32_1 = arith.constant 0 : i32
    return %c0_i32, %c0_i32_0 : i32, i32
  }
  func.func @transform_1(%arg0: i32) -> (i32, i32) {
    %c0_i32 = arith.constant 0 : i32
    %c0_i32_0 = arith.constant 0 : i32
    return %arg0, %c0_i32 : i32, i32
  }
  func.func @transform_2(%arg0: i32) -> (i32, i32) {
    %c0_i32 = arith.constant 0 : i32
    %c0_i32_0 = arith.constant 0 : i32
    return %arg0, %c0_i32 : i32, i32
  }
}

module attributes {stable_mosaic.version = 14 : i64} {
  func.func @_dense_e_body(%arg0: i32, %arg1: memref<256x256xf32, #tpu.memory_space<vmem>>, %arg2: memref<8000x256xf32, #tpu.memory_space<vmem>>, %arg3: memref<8000x256xf32, #tpu.memory_space<vmem>>) attributes {dimension_semantics = [#tpu.dimension_semantics<arbitrary>], iteration_bounds = array<i64: 20>, scalar_prefetch = 0 : i64, scratch_operands = 0 : i64, tpu.core_type = #tpu.core_type<tc>, window_params = [{pipeline_mode = #tpu.pipeline_mode<synchronous>, transform_indices = @transform_0, window_bounds = array<i64: 256, 256>}, {transform_indices = @transform_1, window_bounds = array<i64: 8000, 256>}, {transform_indices = @transform_2, window_bounds = array<i64: 8000, 256>}]} {
    %get3A = arith.constant 0 : index
    %get3A_0 = arith.constant 0 : index
    %get3A_1 = vector.load %arg2[%get3A, %get3A_0] : memref<8000x256xf32, #tpu.memory_space<vmem>>, vector<8000x256xf32>
    %get3A_2 = arith.constant 0 : index
    %get3A_3 = arith.constant 0 : index
    %get3A_4 = vector.load %arg1[%get3A_2, %get3A_3] : memref<256x256xf32, #tpu.memory_space<vmem>>, vector<256x256xf32>
    %dot_general3A = arith.constant dense<0.000000e+00> : vector<8000x256xf32>
    %dot_general3A_5 = tpu.matmul %get3A_1, %get3A_4, %dot_general3A {dimension_numbers = #tpu.dot_dimension_numbers<[1], [0], [0], [1], [0, 0, 1, 1], [], []>, transpose_lhs_hint = false} : vector<8000x256xf32>, vector<256x256xf32>, vector<8000x256xf32> -> vector<8000x256xf32>
    %exp3A = math.exp %dot_general3A_5 : vector<8000x256xf32>
    %swap3A = arith.constant 0 : index
    %swap3A_6 = arith.constant 0 : index
    %swap3A_7 = vector.load %arg3[%swap3A, %swap3A_6] : memref<8000x256xf32, #tpu.memory_space<vmem>>, vector<8000x256xf32>
    tpu.vector_store %arg3[%swap3A, %swap3A_6], %exp3A {strides = array<i32>} : memref<8000x256xf32, #tpu.memory_space<vmem>>, vector<8000x256xf32>,
    return
  }
  func.func @transform_0(%arg0: i32) -> (i32, i32) {
    %c0_i32 = arith.constant 0 : i32
    %c0_i32_0 = arith.constant 0 : i32
    %c0_i32_1 = arith.constant 0 : i32
    return %c0_i32, %c0_i32_0 : i32, i32
  }
  func.func @transform_1(%arg0: i32) -> (i32, i32) {
    %c0_i32 = arith.constant 0 : i32
    %c0_i32_0 = arith.constant 0 : i32
    return %arg0, %c0_i32 : i32, i32
  }
  func.func @transform_2(%arg0: i32) -> (i32, i32) {
    %c0_i32 = arith.constant 0 : i32
    %c0_i32_0 = arith.constant 0 : i32
    return %arg0, %c0_i32 : i32, i32
  }
}

</mosaic_0001>

<sc_bundles>
// kernel: kernel.10.cloned.1.call-start
scs
__scs_entry_jumppad:
0x0: {  	(pc) =	sbr.rel $0x88, $3  }
0x1: {  	(tag) =	ssettag $0x0;
	lr =	simm.s32 $0x1  }
0x2: {  	[smem:$0x3F9E] =	sst lr;
	_ =	strace $0xD0000000  }
0x3: {  	_ = 	snop  }
0x4: {  	_ = 	snop  }
0x5: {  	_ = 	snop  }
0x6: {  	_ = 	snop  }
0x7: {  	_ = 	snop  }
__scs_overlays_trampoline_lowered:
0x8: {  	[smem:$0x3FAD] =	sst s0  }
0x9: {  	[smem:$0x3FAE] =	sst s1  }
0xa: {  	[smem:$0x3FAF] =	sst s2  }
0xb: {  	[smem:$0x3FB0] =	sst s3  }
0xc: {  	[smem:$0x3FB1] =	sst s4  }
0xd: {  	[smem:$0x3FB2] =	sst s5  }
0xe: {  	[smem:$0x3FB3] =	sst s6  }
0xf: {  	[smem:$0x3FB4] =	sst s7  }
0x10: {  	[smem:$0x3FB5] =	sst s8  }
0x11: {  	[smem:$0x3FB6] =	sst s9;
	s0 =	simm.s32 @!p0 $0x0  }
0x12: {  	s1 =	sld [smem:$0x3F9C];
	s0 =	simm.s32 @p0 $0x1  }
0x13: {  	[smem:$0x3FB7] =	sst s0;
	s0 =	simm.s32 @!p1 $0x0  }
0x14: {  	s2 =	sld [smem:$0x3F9B];
	s0 =	simm.s32 @p1 $0x1  }
0x15: {  	[smem:$0x3FB8] =	sst s0;
	s0 =	simm.s32 @!p2 $0x0  }
0x16: {  	s3 =	sld [smem:$0x3FDB];
	s0 =	simm.s32 @p2 $0x1  }
0x17: {  	s4 =	simm.s32 $0x1BF5;
	[smem:$0x3FBA] =	sst s0  }
0x18: {  	s0 =	sld [smem:$0x3F9D];
	_ =	swait.ge [sflag:s4], $0x0  }
0x19: {  	s7 =	sld [smem:$0x3F9E]  }
0x1a: {  	s8 =	sadd.s32 $0xFFFFE003, lr  }
0x1b: {  	s9 =	sadd.s32 $0xFFFFFEF7, lr;
	s5 =	simm.s32 $0xFFFFFFFF;
	p2 =	slt.u32 s8, $0xFFFFF086  }
0x1c: {  	p1 =	slt.u32 s9, $0xF7A;
	s5 =	simm.s32 @!p2 $0x0  }
0x1d: {  	s5 =	simm.s32 @p1 $0x1;
	p0 =	seq.s32 s7, s2  }
0x1e: {  	s7 =	smul.u32 @!p0 $0xF7A, s2;
	p2 =	seq.s32 @!p0 s5, $0x0  }
0x1f: {  	s9 =	smul.u32 $0xF7A, s1;
	s8 =	simm.s32 @!p0 $0x1BF5;
	p2 =	por !p2, p0  }
0x20: {  	[sflag:s8] =	ssyncset.s32 @!p0 $0xFFFFF086;
	s6 =	sadd.s32 @!p0 s3, s7;
	s7 =	simm.s32 @!p0 $0x108  }
0x21: {  	s3 =	sadd.s32 s3, s9;
	s6 =	sadd.s32 @!p0 $0x88, s6;
	s7 =	simm.s32 @p2 $0x1082  }
0x22: {  	[simem:s7], [sflag:s8] =	dma.local @!p0 [hbm:s6], $0xF7A  }
0x23: {  	s9 =	sor.u32 $0xD0000000, s2;
	s6 =	simm.s32 $0x108;
	_ =	swait.ge @!p0 [sflag:s8], $0x0  }
0x24: {  	s3 =	sadd.s32 $0x88, s3;
	s6 =	simm.s32 @!p1 $0x1082;
	[sflag:s4] =	ssyncset.s32 $0xFFFFF086  }
0x25: {  	[simem:s6], [sflag:s4] =	dma.local [hbm:s3], $0xF7A  }
0x26: {  	[smem:$0x3F9E] =	sst s1;
	(tag) =	ssettag s2;
	_ =	strace s9  }
0x27: {  	s1 =	sld [smem:$0x3FAE]  }
0x28: {  	s2 =	sld [smem:$0x3FAF]  }
0x29: {  	s4 =	sld [smem:$0x3FB1]  }
0x2a: {  	p0 =	seq.s32 s5, $0x0;
	s5 =	sld [smem:$0x3FB2]  }
0x2b: {  	s6 =	sld [smem:$0x3FB3]  }
0x2c: {  	s7 =	sld [smem:$0x3FB4]  }
0x2d: {  	s3 =	simm.s32 $0x108;
	s8 =	sld [smem:$0x3FB5]  }
0x2e: {  	s3 =	simm.s32 @!p0 $0x1082;
	s9 =	sld [smem:$0x3FB6]  }
0x2f: {  	lr =	sadd.s32 s0, s3;
	s0 =	sld [smem:$0x3FAD]  }
0x30: {  	s3 =	sld [smem:$0x3FB0]  }
0x31: {  	[smem:$0x3FB9] =	sst s10  }
0x32: {  	s10 =	sld [smem:$0x3FB7];
	_ =	sdelay $0x3  }
0x33: {  	p0 =	seq.s32 s10, $0x1;
	s10 =	sld [smem:$0x3FB9];
	_ =	sdelay $0x3  }
0x34: {  	[smem:$0x3FB9] =	sst s10  }
0x35: {  	s10 =	sld [smem:$0x3FB8];
	_ =	sdelay $0x3  }
0x36: {  	p1 =	seq.s32 s10, $0x1;
	s10 =	sld [smem:$0x3FB9];
	_ =	sdelay $0x3  }
0x37: {  	[smem:$0x3FB9] =	sst s10  }
0x38: {  	s10 =	sld [smem:$0x3FBA]  }
0x39: {  	_ = 	snop;
	(pc) =	sbr.ind lr, $3  }
0x3a: {  	_ = 	snop  }
0x3b: {  	_ = 	snop  }
0x3c: {  	p2 =	seq.s32 s10, $0x1;
	s10 =	sld [smem:$0x3FB9]  }
0x3d: {  	_ =	shalt  }
0x3e: {  	_ =	shalt  }
0x3f: {  	_ =	shalt  }
0x40: {  	_ =	shalt  }
0x41: {  	_ =	shalt  }
0x42: {  	_ =	shalt  }
0x43: {  	_ =	shalt  }
0x44: {  	_ =	shalt  }
0x45: {  	_ =	shalt  }
0x46: {  	_ =	shalt  }
0x47: {  	_ =	shalt  }
0x48: {  	_ =	shalt  }
0x49: {  	_ =	shalt  }
0x4a: {  	_ =	shalt  }
0x4b: {  	_ =	shalt  }
0x4c: {  	_ =	shalt  }
0x4d: {  	_ =	shalt  }
0x4e: {  	_ =	shalt  }
0x4f: {  	_ =	shalt  }
0x50: {  	_ =	shalt  }
0x51: {  	_ =	shalt  }
0x52: {  	_ =	shalt  }
0x53: {  	_ =	shalt  }
0x54: {  	_ =	shalt  }
0x55: {  	_ =	shalt  }
0x56: {  	_ =	shalt  }
0x57: {  	_ =	shalt  }
0x58: {  	_ =	shalt  }
0x59: {  	_ =	shalt  }
0x5a: {  	_ =	shalt  }
0x5b: {  	_ =	shalt  }
0x5c: {  	_ =	shalt  }
0x5d: {  	_ =	shalt  }
0x5e: {  	_ =	shalt  }
0x5f: {  	_ =	shalt  }
0x60: {  	_ =	shalt  }
0x61: {  	_ =	shalt  }
0x62: {  	_ =	shalt  }
0x63: {  	_ =	shalt  }
0x64: {  	_ =	shalt  }
0x65: {  	_ =	shalt  }
0x66: {  	_ =	shalt  }
0x67: {  	_ =	shalt  }
0x68: {  	_ =	shalt  }
0x69: {  	_ =	shalt  }
0x6a: {  	_ =	shalt  }
0x6b: {  	_ =	shalt  }
0x6c: {  	_ =	shalt  }
0x6d: {  	_ =	shalt  }
0x6e: {  	_ =	shalt  }
0x6f: {  	_ =	shalt  }
0x70: {  	_ =	shalt  }
0x71: {  	_ =	shalt  }
0x72: {  	_ =	shalt  }
0x73: {  	_ =	shalt  }
0x74: {  	_ =	shalt  }
0x75: {  	_ =	shalt  }
0x76: {  	_ =	shalt  }
0x77: {  	_ =	shalt  }
0x78: {  	_ =	shalt  }
0x79: {  	_ =	shalt  }
0x7a: {  	_ =	shalt  }
0x7b: {  	_ =	shalt  }
0x7c: {  	_ =	shalt  }
0x7d: {  	_ =	shalt  }
0x7e: {  	_ =	shalt  }
0x7f: {  	_ =	shalt  }
0x80: {  	_ =	shalt  }
0x81: {  	_ =	shalt  }
0x82: {  	_ =	shalt  }
0x83: {  	_ =	shalt  }
0x84: {  	_ =	shalt  }
0x85: {  	_ =	shalt  }
0x86: {  	_ =	shalt  }
0x87: {  	_ =	shalt  }
.Lfunc_end0:
.L_simem_size_0:
called_computation.1_lowered:
.L_overlay_start_0:
0x88: {  	s2 =	sld [smem:$0x3FD9]  }
0x89: {  	s3 =	sld [smem:$0x3FFE];
	_ =	sdelay $0x1  }
0x8a: {  	s1 =	srdreg.scid  }
0x8b: {  	s0 =	sand.u32 $0x1, s1  }
0x8c: {  	s17 =	sshll.u32 s0, $0xA;
	s2 =	sadd.s32 s3, s2  }
0x8d: {  	s2 =	sadd.s32 s2, s17  }
0x8e: {  	[smem:$0x3FC5] =	sst s2  }
0x8f: {  	_ = 	snop  }
0x90: {  	s18 =	sld [smem:$0x3FC8]  }
0x91: {  	s4 =	sld [smem:$0x3FD0];
	(tm) =	ssettm $0x1  }
0x92: {  	s19 =	sld [smem:$0x3FFB];
	_ =	sdelay $0x3  }
0x93: {  	_ =	strace s19  }
0x94: {  	s2 =	sld [smem:$0x3FFC];
	_ =	sdelay $0x3  }
0x95: {  	_ =	strace s2  }
0x96: {  	s2 =	sld [smem:$0x3FFD];
	_ =	sdelay $0x3  }
0x97: {  	_ =	strace s2  }
0x98: {  	_ =	strace $0x8FFFFFFF  }
0x99: {  	s20 =	sld [smem:$0x3FDB];
	_ =	sdelay $0x1  }
0x9a: {  	s5 =	simm.s32 $_scs_section_size  }
0x9b: {  	s6 =	simm.s32 $_size__tile_overlayer_lowered;
	s7 =	simm.s32 $_tile_overlayer_lowered  }
0x9c: {  	s8 =	simm.s32 $0x1BFF;
	s21 =	sshll.u32 s7, $0x1;
	s5 =	sadd.s32 s5, s20  }
0x9d: {  	s22 =	simm.s32 $0x0;
	s6 =	sshll.u32 s6, $0x1;
	s7 =	sadd.s32 s21, s5  }
0x9e: {  	[timem:s22], [sflag:s8] =	dma.local [hbm:s7], s6  }
0x9f: {  	_ =	swait.ge [sflag:s8], s6  }
0xa0: {  	s6 =	ssub.s32 $0x0, s6;
	[sflag:s8] =	ssyncset.done $0x0  }
0xa1: {  	[sflag:s8] =	ssyncadd.s32 s6;
	_ =	sdelay $0x1  }
0xa2: {  	s23 =	simm.s32 $0x1B8B  }
0xa3: {  	_ =	swait.ge [sflag:s23], $0x1  }
0xa4: {  	[sflag:s23] =	ssyncset.done $0x0  }
0xa5: {  	[sflag:s23] =	ssyncadd.s32 $0xFFFFFFFF  }
0xa6: {  	s6 =	sld [smem:$0x0]  }
0xa7: {  	s7 =	sand.u32 $0xFFFFFFFE, s1  }
0xa8: {  	p0 =	sne.s32 s1, s7  }
0xa9: {  	s7 =	sshll.u32 @p0 s7, $0xE  }
0xaa: {  	s7 =	sadd.s32 @p0 $0x11B8D, s7;
	s8 =	sshll.u32 @p0 s6, $0x11  }
0xab: {  	s7 =	sor.u32 @p0 s8, s7  }
0xac: {  	[sflag:s7] =	ssyncadd.remote.s32 @p0 $0x1;
	_ =	sdelay $0x1  }
0xad: {  	s7 =	simm.s32 @p0 $0x1B8D  }
0xae: {  	_ =	swait.eq @p0 [sflag:s7], $0x1  }
0xaf: {  	[sflag:s7] =	ssyncadd.s32 @p0 $0xFFFFFFFF  }
0xb0: {  	s8 =	sshll.u32 @!p0 s1, $0xE  }
0xb1: {  	s8 =	sor.u32 @!p0 $0x4000, s8;
	s7 =	simm.s32 @!p0 $0x1B8D  }
0xb2: {  	s6 =	sshll.u32 @!p0 s6, $0x11;
	s8 =	sadd.s32 @!p0 $0x11B8D, s8;
	_ =	swait.eq @!p0 [sflag:s7], $0x1  }
0xb3: {  	s6 =	sor.u32 @!p0 s6, s8;
	[sflag:s7] =	ssyncadd.s32 @!p0 $0xFFFFFFFF  }
0xb4: {  	s25 =	simm.s32 $0x1B8E;
	s24 =	sld [smem:$0x3FFE];
	[sflag:s6] =	ssyncadd.remote.s32 @!p0 $0x1  }
0xb5: {  	s26 =	simm.s32 $execute0_lowered;
	[smem:$0x3FD2] =	sst s25  }
0xb6: {  	s7 =	sshll.u32 s26, $0x1;
	_ =	strace $0x80000049;
	[dreg:$0x1] =	wrdreg $0xFFFFFFFF  }
0xb7: {  	s28 =	simm.s32 $_size_execute0_lowered;
	s5 =	sadd.s32 s5, s7;
	[dreg:$0x0] =	wrdreg $0x0  }
0xb8: {  	s7 =	sshll.u32 s28, $0x1;
	[dreg:$0x2] =	wrdreg s5  }
0xb9: {  	[dreg:$0x3] =	wrdreg s7  }
0xba: {  	[dreg:$0x4] =	wrdreg $0xC0  }
0xbb: {  	_ =	task [dreg:s22], $0x5FFFF  }
0xbc: {  	[dreg:$0x1] =	wrdreg $0xFFFFFFFF  }
0xbd: {  	[dreg:$0x0] =	wrdreg $0x60  }
0xbe: {  	[dreg:$0x2] =	wrdreg s24  }
0xbf: {  	[dreg:$0x3] =	wrdreg s18  }
0xc0: {  	[dreg:$0x4] =	wrdreg s4  }
0xc1: {  	[dreg:$0x5] =	wrdreg $0x0  }
0xc2: {  	[dreg:$0x6] =	wrdreg $0xA  }
0xc3: {  	_ =	task.clear_ibuf [dreg:s22], $0x7FFFF;
	_ =	strace $0x90000049  }
0xc4: {  	s29 =	simm.s32 $0xA;
	_ =	strace $0x8000004B  }
0xc5: {  	_ =	swait.ge [sflag:s29], $0x1  }
0xc6: {  	[sflag:s29] =	ssyncadd.s32 $0xFFFFFFFF  }
0xc7: {  	_ =	strace $0x9000004B  }
0xc8: {  	_ =	sfence  }
0xc9: {  	s30 =	sld [smem:$0x0];
	_ =	sdelay $0x2  }
0xca: {  	s31 =	sshll.u32 s1, $0xD;
	s1 =	sshrl.u32 s1, $0x2  }
0xcb: {  	s4 =	sand.u32 $0x4000, s31;
	s1 =	sadd.s32 s1, s30  }
0xcc: {  	s0 =	sor.u32 s4, s0;
	s1 =	sshll.u32 s1, $0x11  }
0xcd: {  	s0 =	sor.u32 s1, s0  }
0xce: {  	s0 =	sadd.s32 $0x8F2B, s0  }
0xcf: {  	[sflag:s0] =	ssyncadd.remote.s32 $0x1  }
0xd0: {  	_ =	sfence.sel $0xFFFF  }
0xd1: {  	[dreg:$0x0] =	wrdreg $0xFFFFFFFF;
	(pc) =	sbr.abs _section_cstart, $3  }
0xd2: {  	[dreg:$0x1] =	wrdreg $0xFFFFFFFF  }
0xd3: {  	_ =	task.clear_ibuf [dreg:s22], $0x2FFFF;
	_ =	strace $0x9FFFFFFF  }
0xd4: {  	(tm) =	ssettm $0x7FFFFFFF  }
0xd5: {  	_ =	shalt  }
tec
execute0_lowered:
.L_overlay_start_1:
0x0: {  	(tag) =	ssettag $0x1  }
0x1: {  	s0 =	rddreg [dreg:$0x0]  }
0x2: {  	s1 =	rddreg [dreg:$0x1]  }
0x3: {  	s4 =	rddreg [dreg:$0x2]  }
0x4: {  	s2 =	rddreg [dreg:$0x3];
	s3 =	simm.s32 $0x0;
	s5 =	srdreg.scid  }
0x5: {  	s7 =	stileid.u32;
	s28 =	simm.s32 $0x2;
	s29 =	simm.s32 $0x80  }
0x6: {  	s30 =	simm.s32 $0x40;
	s31 =	simm.s32 $0x3;
	s6 =	smul.u32 $0x2700, s7  }
0x7: {  	s16 =	simm.s32 $0x0;
	[smem:$0x7FF] =	sst s3;
	s9 =	smul.u32 $0x7D000, s7  }
0x8: {  	s12 =	sand.u32 $0x1, s5;
	s5 =	sadd.s32 $0x535200, s0;
	s13 =	smul.u32 $0x270000, s7  }
0x9: {  	s0 =	sadd.s32 $0x4E3000, s0;
	s15 =	smul.u32 $0x3E800, s7;
	s21 =	sadd.s32 $0x4E00, s1  }
0xa: {  	s23 =	sadd.s32 $0x4E10, s1;
	_ =	strace $0x8000004A;
	[dreg:$0x5] =	wrdreg s0  }
0xb: {  	p0 =	sgt.u32 s7, $0x9;
	p1 =	sne.s32 s7, $0x0;
	[dreg:$0x7] =	wrdreg s21  }
0xc: {  	s8 =	ssub.s32 $0x2, s12;
	s14 =	sshll.u32 s12, $0x7;
	[dreg:$0x8] =	wrdreg s23  }
0xd: {  	s21 =	simm.s32 $0x13880;
	s23 =	simm.s32 $0x400;
	s19 =	sshrl.u32 s8, $0x1  }
0xe: {  	s20 =	sshrl.u32 s6, $0x3;
	s10 =	sshrl.u32 s9, $0x2;
	s9 =	sshll.u32 s12, $0xA  }
0xf: {  	s22 =	sadd.s32 s14, s5;
	s0 =	ssub.s32 s8, s19;
	s8 =	sadd.s32 s1, s20  }
0x10: {  	s10 =	sadd.s32 s10, s2;
	s13 =	sor.u32 s9, s13;
	s24 =	sadd.s32 $0x4E0000, s22  }
0x11: {  	s25 =	sor.u32 s9, s15;
	s11 =	sadd.s32 $0x10, s8;
	s13 =	sshrl.u32 s13, $0x3  }
0x12: {  	[dreg:$0x9] =	wrdreg s24;
	s26 =	sshrl.u32 s25, $0x3;
	s18 =	smax.u32 s0, $0x1  }
.Ltmp0:
0x13: {  	s0 =	sshll.u32 @!p0 s7, $0x6;
	[dreg:$0x6] =	wrdreg s10;
	(pc) =	sbr.rel .LBB2_1-.Ltmp0, $4  }
0x14: {  	s20 =	sshrl.u32 @!p0 s10, $0x3;
	s24 =	simm.s32 $0x800;
	s25 =	simm.s32 $0x13A80  }
0x15: {  	s12 =	sadd.s32 s5, s13;
	s13 =	sadd.s32 $0x4E1000, s22;
	s4 =	sadd.s32 s4, s26  }
0x16: {  	s19 =	sor.u32 @!p0 $0x1C04, s0;
	s22 =	simm.s32 $0x13900;
	[dreg:$0xa] =	wrdreg s13  }
0x17: {  	s26 =	simm.s32 $0x1;
	s0 =	simm.s32 $0x4;
	[dreg:$0xb] =	wrdreg s4  }
.LBB2_6:
0x18: {  	s4 =	rddreg [dreg:$0x7]  }
0x19: {  	[tilespmem:s21], [sflag:$0x4] =	stream.linear.gather [hbm4b:s4+s3], $0x80, $0x38;
	[tilespmem:$0x1FA80] =	vst v63  }
0x1a: {  	_ =	swait.ge [sflag:s0], $0x80  }
0x1b: {  	[sflag:s0] =	ssyncset.done $0x0  }
0x1c: {  	s14 =	rddreg [dreg:$0x8];
	[sflag:s0] =	ssyncadd.s32 $0xFFFFFF80  }
0x1d: {  	[tilespmem:s22], [sflag:$0x4] =	stream.linear.gather [hbm4b:s14+s3], $0x80, $0x38;
	[tilespmem:$0x1FA80] =	vst v63  }
0x1e: {  	_ =	swait.ge [sflag:s0], $0x80  }
0x1f: {  	[sflag:s0] =	ssyncset.done $0x0  }
0x20: {  	s15 =	rddreg [dreg:$0x9];
	[sflag:s0] =	ssyncadd.s32 $0xFFFFFF80  }
0x21: {  	[tilespmem:s25], [sflag:$0x4] =	stream.strided.gather [hbm4b:s15+s23], $0x4000, s24, s23, $0x38;
	[tilespmem:$0x1FA80] =	vst v63  }
0x22: {  	_ =	swait.ge [sflag:s0], $0x4000  }
0x23: {  	[sflag:s0] =	ssyncset.done $0x0  }
0x24: {  	s7 =	simm.s32 $0x19A80;
	s17 =	rddreg [dreg:$0xa];
	[sflag:s0] =	ssyncadd.s32 $0xFFFFC000  }
0x25: {  	[tilespmem:s7], [sflag:$0x4] =	stream.strided.gather [hbm4b:s17+s23], $0x4000, s24, s23, $0x38;
	[tilespmem:$0x1FA80] =	vst v63  }
0x26: {  	_ =	swait.ge [sflag:s0], $0x4000  }
0x27: {  	[sflag:s0] =	ssyncset.done $0x0  }
0x28: {  	[sflag:s0] =	ssyncadd.s32 $0xFFFFC000  }
0x29: {  	[spmem:s2] =	stream.indirect.scatter.add.f32 [tilespmem:s25], [sflag:$0x4], $0x80, s21, s29, $0xb8;
	[tilespmem:$0x1FA80] =	vst v63  }
0x2a: {  	_ =	swait.ge [sflag:s0], $0x4000  }
0x2b: {  	[sflag:s0] =	ssyncset.done $0x0  }
0x2c: {  	[sflag:s0] =	ssyncadd.s32 $0xFFFFC000  }
0x2d: {  	[spmem:s2] =	stream.indirect.scatter.add.f32 [tilespmem:s7], [sflag:$0x4], $0x80, s22, s29, $0xb8;
	[tilespmem:$0x1FA80] =	vst v63  }
0x2e: {  	_ =	swait.ge [sflag:s0], $0x4000  }
0x2f: {  	[sflag:s0] =	ssyncset.done $0x0  }
0x30: {  	[sflag:s0] =	ssyncadd.s32 $0xFFFFC000  }
0x31: {  	[bflag:$0x0] =	sbarrier.arrive $0xFFFF  }
.LBB2_8:
0x32: {  	s4 =	stileid.u32;
	s7 =	rddreg [dreg:$0x6]  }
0x33: {  	s10 =	rddreg [dreg:$0xb];
	s13 =	simm.s32 $0x8;
	s4 =	sshll.u32 s4, $0x6  }
0x34: {  	s14 =	simm.s32 $0x100;
	s7 =	sshrl.u32 s7, $0x3;
	s4 =	sor.u32 $0x1C04, s4  }
0x35: {  	[hbm:s10@s14], [sflag:s4] =	dma.strided [spmem:s7@s29], $0x3E80, s13, $0x10   }
0x36: {  	_ =	swait.ge [sflag:s0], $0x3E80  }
0x37: {  	[sflag:s0] =	ssyncset.done $0x0  }
0x38: {  	[sflag:s0] =	ssyncadd.s32 $0xFFFFC180  }
.LBB2_9:
0x39: {  	s16 =	sadd.s32 $0x1, s16  }
0x3a: {  	p2 =	sne.s32 s16, s18  }
.Ltmp1:
0x3b: {  	_ = 	snop;
	(pc) =	sbr.rel @!p2 .LBB2_10-.Ltmp1, $1  }
0x3c: {  	_ =	sdelay $0x3  }
.LBB2_1:
0x3d: {  	s4 =	rddreg [dreg:$0x5]  }
0x3e: {  	[spmem:s20], [sflag:s19] =	dma.local @!p0 [hbm:s4], $0x3E80  }
0x3f: {  	s4 =	simm.s32 @!p0 $0x4  }
0x40: {  	_ =	swait.ge @!p0 [sflag:s4], $0x3E80  }
0x41: {  	[sflag:s4] =	ssyncset.done @!p0 $0x0  }
0x42: {  	[sflag:s4] =	ssyncadd.s32 @!p0 $0xFFFFC180  }
0x43: {  	[bflag:$0x0] =	sbarrier.arrive $0xFFFF  }
0x44: {  	[tilespmem:s21], [sflag:$0x1] =	stream.linear.gather [hbm4b:s8+s3], $0x80, $0x38;
	[tilespmem:$0x1FA80] =	vst v63  }
.Ltmp2:
0x45: {  	_ = 	snop;
	(pc) =	sbr.rel .LBB2_2-.Ltmp2, $4  }
0x46: {  	_ = 	snop  }
0x47: {  	[tilespmem:s22], [sflag:$0x1] =	stream.linear.gather [hbm4b:s11+s3], $0x40, $0x38;
	[tilespmem:$0x1FA80] =	vst v63  }
0x48: {  	s4 =	simm.s32 $0x0  }
0x49: {  	[tilespmem:s25], [sflag:$0x2] =	stream.strided.gather [hbm4b:s12+s23], $0x6000, s24, s23, $0x38;
	[tilespmem:$0x1FA80] =	vst v63  }
.LBB2_4:
0x4a: {  	s4 =	smul.u32 $0x18000, s14;
	_ =	sdelay $0x1  }
0x4b: {  	s7 =	sshll.u32 s14, $0x8;
	p2 =	slt.u32 s15, $0x34;
	s4 =	sshrl.u32 s4, $0x2  }
.Ltmp3:
0x4c: {  	s10 =	sor.u32 $0x13880, s7;
	s13 =	sadd.s32 $0x13A80, s4;
	(pc) =	sbr.rel @!p2 .LBB2_5-.Ltmp3, $4  }
0x4d: {  	[spmem:s2] =	stream.indirect.scatter.add.f32 [tilespmem:s13], [sflag:$0x3], $0x80, s10, s29, $0xb8;
	[tilespmem:$0x1FA80] =	vst v63  }
0x4e: {  	s7 =	sadd.s32 $0x13900, s7;
	s4 =	sadd.s32 $0x17A80, s4  }
0x4f: {  	[spmem:s2] =	stream.indirect.scatter.add.f32 [tilespmem:s4], [sflag:$0x3], $0x80, s7, s30, $0xb8;
	[tilespmem:$0x1FA80] =	vst v63  }
0x50: {  	s4 =	smov.u32 s15  }
.LBB2_2:
0x51: {  	_ =	swait.ge [sflag:s26], $0x80  }
0x52: {  	[sflag:s26] =	ssyncset.done $0x0  }
0x53: {  	[sflag:s26] =	ssyncadd.s32 $0xFFFFFF80  }
0x54: {  	_ =	swait.ge [sflag:s26], $0x40  }
0x55: {  	[sflag:s26] =	ssyncset.done $0x0  }
0x56: {  	[sflag:s26] =	ssyncadd.s32 $0xFFFFFFC0  }
0x57: {  	_ =	swait.ge [sflag:s28], $0x6000  }
0x58: {  	p2 =	seq.s32 s4, $0x0;
	[sflag:s28] =	ssyncset.done $0x0  }
0x59: {  	s15 =	simm.s32 @!p2 $0x3;
	p3 =	seq.s32 @!p2 s4, $0x33;
	[sflag:s28] =	ssyncadd.s32 $0xFFFFA000  }
0x5a: {  	p3 =	por p2, !p3;
	_ =	swait.ge @!p2 [sflag:s15], $0x4000  }
.Ltmp4:
0x5b: {  	[sflag:s15] =	ssyncset.done @!p2 $0x0;
	(pc) =	sbr.rel @!p3 .LBB2_4-.Ltmp4, $4  }
0x5c: {  	[sflag:s15] =	ssyncadd.s32 @!p2 $0xFFFFC000  }
0x5d: {  	_ =	swait.ge @!p2 [sflag:s15], $0x2000  }
0x5e: {  	[sflag:s15] =	ssyncset.done @!p2 $0x0  }
0x5f: {  	s14 =	sand.u32 $0x1, s4;
	[sflag:s15] =	ssyncadd.s32 @!p2 $0xFFFFE000;
	s15 =	simm.s32 @!p2 $0x34  }
0x60: {  	s15 =	sadd.s32 @!p2 $0x1, s4  }
0x61: {  	s15 =	simm.s32 @p2 $0x1  }
0x62: {  	s7 =	smul.u32 $0xC0, s15;
	_ =	sdelay $0x1  }
0x63: {  	s13 =	sxor.u32 $0x1, s14;
	s4 =	sadd.s32 s6, s7  }
0x64: {  	s10 =	sshll.u32 s13, $0x8;
	s17 =	sshrl.u32 s4, $0x3  }
0x65: {  	s7 =	sor.u32 $0x13880, s10;
	s17 =	sadd.s32 s1, s17  }
0x66: {  	[tilespmem:s7], [sflag:$0x1] =	stream.linear.gather [hbm4b:s17+s3], $0x80, $0x38;
	[tilespmem:$0x1FA80] =	vst v63  }
0x67: {  	s10 =	sadd.s32 $0x13900, s10;
	s17 =	sadd.s32 $0x10, s17  }
0x68: {  	[tilespmem:s10], [sflag:$0x1] =	stream.linear.gather [hbm4b:s17+s3], $0x40, $0x38;
	[tilespmem:$0x1FA80] =	vst v63  }
0x69: {  	s17 =	smul.u32 $0x18000, s13  }
.Ltmp5:
0x6a: {  	s4 =	sshll.u32 s4, $0x8;
	(pc) =	sbr.rel .LBB2_4-.Ltmp5, $4  }
0x6b: {  	s4 =	sor.u32 s9, s4  }
0x6c: {  	s4 =	sshrl.u32 s4, $0x3;
	s7 =	sshrl.u32 s17, $0x2  }
0x6d: {  	s4 =	sadd.s32 s5, s4;
	s7 =	sadd.s32 $0x13A80, s7  }
0x6e: {  	[tilespmem:s7], [sflag:$0x2] =	stream.strided.gather [hbm4b:s4+s23], $0x6000, s24, s23, $0x38;
	[tilespmem:$0x1FA80] =	vst v63  }
.LBB2_5:
0x6f: {  	_ =	swait.ge [sflag:s31], $0x4000  }
.Ltmp6:
0x70: {  	[sflag:s31] =	ssyncset.done $0x0;
	(pc) =	sbr.rel @!p1 .LBB2_6-.Ltmp6, $4  }
0x71: {  	[sflag:s31] =	ssyncadd.s32 $0xFFFFC000  }
0x72: {  	_ =	swait.ge [sflag:s31], $0x2000  }
0x73: {  	[sflag:s31] =	ssyncset.done $0x0  }
0x74: {  	[sflag:s31] =	ssyncadd.s32 $0xFFFFE000  }
.Ltmp7:
0x75: {  	(pc) =	sbr.rel @p0 .LBB2_9-.Ltmp7, $4  }
.Ltmp8:
0x76: {  	(pc) =	sbr.rel @!p0 .LBB2_8-.Ltmp8, $4  }
0x77: {  	_ = 	snop  }
0x78: {  	[bflag:$0x0] =	sbarrier.arrive $0xFFFF  }
0x79: {  	_ = 	snop  }
0x7a: {  	_ = 	snop  }
.LBB2_10:
0x7b: {  	_ =	sfence.sel $0x180000  }
0x7c: {  	[bflag:$0x0] =	sbarrier.arrive $0xFFFF  }
0x7d: {  	_ =	strace $0x9000004A  }
0x7e: {  	[bflag:$0x2] =	sbarrier.arrive $0xFFFF  }
0x7f: {  	s0 =	rddreg [dreg:$0x4]  }
0x80: {  	s0 =	sadd.s32 @!p1 $0x100000, s0  }
0x81: {  	[sflag:s0] =	ssyncadd.tile.s32 @!p1 $0x1;
	_ =	shalt  }
.Lfunc_end2:
_tile_overlayer_lowered:
.L_overlay_start_2:
0x82: {  	(tag) =	ssettag $0x2  }
0x83: {  	s0 =	rddreg [dreg:$0x0];
	s2 =	stileid.u32  }
0x84: {  	s1 =	rddreg [dreg:$0x1];
	p0 =	sne.s32 s2, $0x0  }
0x85: {  	s3 =	rddreg [dreg:$0x2];
	[bflag:$0x3] =	sbarrier.arrive $0xFFFF;
	s2 =	simm.s32 @!p0 $0x1C04  }
0x86: {  	[timem:s3], [sflag:s2] =	dma.local @!p0 [hbm:s0], s1  }
0x87: {  	s0 =	simm.s32 @!p0 $0x4  }
0x88: {  	_ =	swait.ge @!p0 [sflag:s0], s1  }
0x89: {  	s1 =	ssub.s32 @!p0 $0x0, s1;
	[sflag:s0] =	ssyncset.done @!p0 $0x0  }
0x8a: {  	[sflag:s0] =	ssyncadd.s32 @!p0 s1  }
0x8b: {  	[bflag:$0x3] =	sbarrier.arrive $0xFFFF  }
0x8c: {  	_ =	shalt  }

// kernel: kernel.7.cloned.1.call-start
scs
__scs_entry_jumppad:
0x0: {  	(pc) =	sbr.rel $0x88, $3  }
0x1: {  	(tag) =	ssettag $0x0;
	lr =	simm.s32 $0x1  }
0x2: {  	[smem:$0x3F9E] =	sst lr;
	_ =	strace $0xD0000000  }
0x3: {  	_ = 	snop  }
0x4: {  	_ = 	snop  }
0x5: {  	_ = 	snop  }
0x6: {  	_ = 	snop  }
0x7: {  	_ = 	snop  }
__scs_overlays_trampoline_lowered:
0x8: {  	[smem:$0x3FAD] =	sst s0  }
0x9: {  	[smem:$0x3FAE] =	sst s1  }
0xa: {  	[smem:$0x3FAF] =	sst s2  }
0xb: {  	[smem:$0x3FB0] =	sst s3  }
0xc: {  	[smem:$0x3FB1] =	sst s4  }
0xd: {  	[smem:$0x3FB2] =	sst s5  }
0xe: {  	[smem:$0x3FB3] =	sst s6  }
0xf: {  	[smem:$0x3FB4] =	sst s7  }
0x10: {  	[smem:$0x3FB5] =	sst s8  }
0x11: {  	[smem:$0x3FB6] =	sst s9;
	s0 =	simm.s32 @!p0 $0x0  }
0x12: {  	s1 =	sld [smem:$0x3F9C];
	s0 =	simm.s32 @p0 $0x1  }
0x13: {  	[smem:$0x3FB7] =	sst s0;
	s0 =	simm.s32 @!p1 $0x0  }
0x14: {  	s2 =	sld [smem:$0x3F9B];
	s0 =	simm.s32 @p1 $0x1  }
0x15: {  	[smem:$0x3FB8] =	sst s0;
	s0 =	simm.s32 @!p2 $0x0  }
0x16: {  	s3 =	sld [smem:$0x3FDB];
	s0 =	simm.s32 @p2 $0x1  }
0x17: {  	s4 =	simm.s32 $0x1BF5;
	[smem:$0x3FBA] =	sst s0  }
0x18: {  	s0 =	sld [smem:$0x3F9D];
	_ =	swait.ge [sflag:s4], $0x0  }
0x19: {  	s7 =	sld [smem:$0x3F9E]  }
0x1a: {  	s8 =	sadd.s32 $0xFFFFE003, lr  }
0x1b: {  	s9 =	sadd.s32 $0xFFFFFEF7, lr;
	s5 =	simm.s32 $0xFFFFFFFF;
	p2 =	slt.u32 s8, $0xFFFFF086  }
0x1c: {  	p1 =	slt.u32 s9, $0xF7A;
	s5 =	simm.s32 @!p2 $0x0  }
0x1d: {  	s5 =	simm.s32 @p1 $0x1;
	p0 =	seq.s32 s7, s2  }
0x1e: {  	s7 =	smul.u32 @!p0 $0xF7A, s2;
	p2 =	seq.s32 @!p0 s5, $0x0  }
0x1f: {  	s9 =	smul.u32 $0xF7A, s1;
	s8 =	simm.s32 @!p0 $0x1BF5;
	p2 =	por !p2, p0  }
0x20: {  	[sflag:s8] =	ssyncset.s32 @!p0 $0xFFFFF086;
	s6 =	sadd.s32 @!p0 s3, s7;
	s7 =	simm.s32 @!p0 $0x108  }
0x21: {  	s3 =	sadd.s32 s3, s9;
	s6 =	sadd.s32 @!p0 $0x88, s6;
	s7 =	simm.s32 @p2 $0x1082  }
0x22: {  	[simem:s7], [sflag:s8] =	dma.local @!p0 [hbm:s6], $0xF7A  }
0x23: {  	s9 =	sor.u32 $0xD0000000, s2;
	s6 =	simm.s32 $0x108;
	_ =	swait.ge @!p0 [sflag:s8], $0x0  }
0x24: {  	s3 =	sadd.s32 $0x88, s3;
	s6 =	simm.s32 @!p1 $0x1082;
	[sflag:s4] =	ssyncset.s32 $0xFFFFF086  }
0x25: {  	[simem:s6], [sflag:s4] =	dma.local [hbm:s3], $0xF7A  }
0x26: {  	[smem:$0x3F9E] =	sst s1;
	(tag) =	ssettag s2;
	_ =	strace s9  }
0x27: {  	s1 =	sld [smem:$0x3FAE]  }
0x28: {  	s2 =	sld [smem:$0x3FAF]  }
0x29: {  	s4 =	sld [smem:$0x3FB1]  }
0x2a: {  	p0 =	seq.s32 s5, $0x0;
	s5 =	sld [smem:$0x3FB2]  }
0x2b: {  	s6 =	sld [smem:$0x3FB3]  }
0x2c: {  	s7 =	sld [smem:$0x3FB4]  }
0x2d: {  	s3 =	simm.s32 $0x108;
	s8 =	sld [smem:$0x3FB5]  }
0x2e: {  	s3 =	simm.s32 @!p0 $0x1082;
	s9 =	sld [smem:$0x3FB6]  }
0x2f: {  	lr =	sadd.s32 s0, s3;
	s0 =	sld [smem:$0x3FAD]  }
0x30: {  	s3 =	sld [smem:$0x3FB0]  }
0x31: {  	[smem:$0x3FB9] =	sst s10  }
0x32: {  	s10 =	sld [smem:$0x3FB7];
	_ =	sdelay $0x3  }
0x33: {  	p0 =	seq.s32 s10, $0x1;
	s10 =	sld [smem:$0x3FB9];
	_ =	sdelay $0x3  }
0x34: {  	[smem:$0x3FB9] =	sst s10  }
0x35: {  	s10 =	sld [smem:$0x3FB8];
	_ =	sdelay $0x3  }
0x36: {  	p1 =	seq.s32 s10, $0x1;
	s10 =	sld [smem:$0x3FB9];
	_ =	sdelay $0x3  }
0x37: {  	[smem:$0x3FB9] =	sst s10  }
0x38: {  	s10 =	sld [smem:$0x3FBA]  }
0x39: {  	_ = 	snop;
	(pc) =	sbr.ind lr, $3  }
0x3a: {  	_ = 	snop  }
0x3b: {  	_ = 	snop  }
0x3c: {  	p2 =	seq.s32 s10, $0x1;
	s10 =	sld [smem:$0x3FB9]  }
0x3d: {  	_ =	shalt  }
0x3e: {  	_ =	shalt  }
0x3f: {  	_ =	shalt  }
0x40: {  	_ =	shalt  }
0x41: {  	_ =	shalt  }
0x42: {  	_ =	shalt  }
0x43: {  	_ =	shalt  }
0x44: {  	_ =	shalt  }
0x45: {  	_ =	shalt  }
0x46: {  	_ =	shalt  }
0x47: {  	_ =	shalt  }
0x48: {  	_ =	shalt  }
0x49: {  	_ =	shalt  }
0x4a: {  	_ =	shalt  }
0x4b: {  	_ =	shalt  }
0x4c: {  	_ =	shalt  }
0x4d: {  	_ =	shalt  }
0x4e: {  	_ =	shalt  }
0x4f: {  	_ =	shalt  }
0x50: {  	_ =	shalt  }
0x51: {  	_ =	shalt  }
0x52: {  	_ =	shalt  }
0x53: {  	_ =	shalt  }
0x54: {  	_ =	shalt  }
0x55: {  	_ =	shalt  }
0x56: {  	_ =	shalt  }
0x57: {  	_ =	shalt  }
0x58: {  	_ =	shalt  }
0x59: {  	_ =	shalt  }
0x5a: {  	_ =	shalt  }
0x5b: {  	_ =	shalt  }
0x5c: {  	_ =	shalt  }
0x5d: {  	_ =	shalt  }
0x5e: {  	_ =	shalt  }
0x5f: {  	_ =	shalt  }
0x60: {  	_ =	shalt  }
0x61: {  	_ =	shalt  }
0x62: {  	_ =	shalt  }
0x63: {  	_ =	shalt  }
0x64: {  	_ =	shalt  }
0x65: {  	_ =	shalt  }
0x66: {  	_ =	shalt  }
0x67: {  	_ =	shalt  }
0x68: {  	_ =	shalt  }
0x69: {  	_ =	shalt  }
0x6a: {  	_ =	shalt  }
0x6b: {  	_ =	shalt  }
0x6c: {  	_ =	shalt  }
0x6d: {  	_ =	shalt  }
0x6e: {  	_ =	shalt  }
0x6f: {  	_ =	shalt  }
0x70: {  	_ =	shalt  }
0x71: {  	_ =	shalt  }
0x72: {  	_ =	shalt  }
0x73: {  	_ =	shalt  }
0x74: {  	_ =	shalt  }
0x75: {  	_ =	shalt  }
0x76: {  	_ =	shalt  }
0x77: {  	_ =	shalt  }
0x78: {  	_ =	shalt  }
0x79: {  	_ =	shalt  }
0x7a: {  	_ =	shalt  }
0x7b: {  	_ =	shalt  }
0x7c: {  	_ =	shalt  }
0x7d: {  	_ =	shalt  }
0x7e: {  	_ =	shalt  }
0x7f: {  	_ =	shalt  }
0x80: {  	_ =	shalt  }
0x81: {  	_ =	shalt  }
0x82: {  	_ =	shalt  }
0x83: {  	_ =	shalt  }
0x84: {  	_ =	shalt  }
0x85: {  	_ =	shalt  }
0x86: {  	_ =	shalt  }
0x87: {  	_ =	shalt  }
.Lfunc_end0:
.L_simem_size_0:
called_computation_lowered:
.L_overlay_start_0:
0x88: {  	s2 =	sld [smem:$0x3FD9]  }
0x89: {  	s3 =	sld [smem:$0x3FFE];
	_ =	sdelay $0x1  }
0x8a: {  	s1 =	srdreg.scid  }
0x8b: {  	s0 =	sand.u32 $0x1, s1  }
0x8c: {  	s17 =	sshll.u32 s0, $0xA;
	s2 =	sadd.s32 s3, s2  }
0x8d: {  	s2 =	sadd.s32 s2, s17  }
0x8e: {  	[smem:$0x3FC5] =	sst s2  }
0x8f: {  	_ = 	snop  }
0x90: {  	s2 =	sld [smem:$0x3FC8];
	(tm) =	ssettm $0x1  }
0x91: {  	s18 =	sld [smem:$0x3FFB];
	_ =	sdelay $0x3  }
0x92: {  	_ =	strace s18  }
0x93: {  	s3 =	sld [smem:$0x3FFC];
	_ =	sdelay $0x3  }
0x94: {  	_ =	strace s3  }
0x95: {  	s3 =	sld [smem:$0x3FFD];
	_ =	sdelay $0x3  }
0x96: {  	_ =	strace s3  }
0x97: {  	_ =	strace $0x8FFFFFFF  }
0x98: {  	s19 =	sld [smem:$0x3FDB];
	_ =	sdelay $0x1  }
0x99: {  	s4 =	simm.s32 $_scs_section_size  }
0x9a: {  	s5 =	simm.s32 $_size__tile_overlayer_lowered;
	s6 =	simm.s32 $_tile_overlayer_lowered  }
0x9b: {  	s22 =	simm.s32 $0x1BFF;
	s21 =	sshll.u32 s6, $0x1;
	s3 =	sadd.s32 s4, s19  }
0x9c: {  	s7 =	simm.s32 $0x0;
	s20 =	sshll.u32 s5, $0x1;
	s5 =	sadd.s32 s21, s3  }
0x9d: {  	[timem:s7], [sflag:s22] =	dma.local [hbm:s5], s20  }
0x9e: {  	_ =	swait.ge [sflag:s22], s20  }
0x9f: {  	s4 =	ssub.s32 $0x0, s20;
	[sflag:s22] =	ssyncset.done $0x0  }
0xa0: {  	[sflag:s22] =	ssyncadd.s32 s4;
	_ =	sdelay $0x1  }
0xa1: {  	s23 =	simm.s32 $0x1B8B  }
0xa2: {  	_ =	swait.ge [sflag:s23], $0x1  }
0xa3: {  	[sflag:s23] =	ssyncset.done $0x0  }
0xa4: {  	s25 =	simm.s32 $0x1B8E;
	s24 =	sld [smem:$0x3FFE];
	[sflag:s23] =	ssyncadd.s32 $0xFFFFFFFF  }
0xa5: {  	s26 =	simm.s32 $execute0_lowered;
	[smem:$0x3FD2] =	sst s25  }
0xa6: {  	s5 =	sshll.u32 s26, $0x1;
	_ =	strace $0x80000046;
	[dreg:$0x1] =	wrdreg $0xFFFFFFFF  }
0xa7: {  	s28 =	simm.s32 $_size_execute0_lowered;
	s3 =	sadd.s32 s3, s5;
	[dreg:$0x0] =	wrdreg $0x0  }
0xa8: {  	s5 =	sshll.u32 s28, $0x1;
	[dreg:$0x2] =	wrdreg s3  }
0xa9: {  	[dreg:$0x3] =	wrdreg s5  }
0xaa: {  	[dreg:$0x4] =	wrdreg $0xC0  }
0xab: {  	_ =	task [dreg:s7], $0x5FFFF  }
0xac: {  	[dreg:$0x1] =	wrdreg $0xFFFFFFFF  }
0xad: {  	[dreg:$0x0] =	wrdreg $0x60  }
0xae: {  	[dreg:$0x2] =	wrdreg s24  }
0xaf: {  	[dreg:$0x3] =	wrdreg s2  }
0xb0: {  	[dreg:$0x4] =	wrdreg $0x0  }
0xb1: {  	[dreg:$0x5] =	wrdreg $0x9  }
0xb2: {  	_ =	task.clear_ibuf [dreg:s7], $0x6FFFF;
	_ =	strace $0x90000046  }
0xb3: {  	s29 =	simm.s32 $0x9;
	_ =	strace $0x80000048  }
0xb4: {  	_ =	swait.ge [sflag:s29], $0x1  }
0xb5: {  	[sflag:s29] =	ssyncadd.s32 $0xFFFFFFFF  }
0xb6: {  	_ =	strace $0x90000048  }
0xb7: {  	_ =	sfence  }
0xb8: {  	s30 =	sld [smem:$0x0];
	_ =	sdelay $0x2  }
0xb9: {  	s31 =	sshll.u32 s1, $0xD;
	s1 =	sshrl.u32 s1, $0x2  }
0xba: {  	s3 =	sand.u32 $0x4000, s31;
	s1 =	sadd.s32 s1, s30  }
0xbb: {  	s0 =	sor.u32 s3, s0;
	s1 =	sshll.u32 s1, $0x11  }
0xbc: {  	s0 =	sor.u32 s1, s0  }
0xbd: {  	s0 =	sadd.s32 $0x8F2B, s0  }
0xbe: {  	[sflag:s0] =	ssyncadd.remote.s32 $0x1  }
0xbf: {  	_ =	sfence.sel $0xFFFF  }
0xc0: {  	[dreg:$0x0] =	wrdreg $0xFFFFFFFF;
	(pc) =	sbr.abs _section_cstart, $3  }
0xc1: {  	[dreg:$0x1] =	wrdreg $0xFFFFFFFF  }
0xc2: {  	_ =	task.clear_ibuf [dreg:s7], $0x2FFFF;
	_ =	strace $0x9FFFFFFF  }
0xc3: {  	(tm) =	ssettm $0x7FFFFFFF  }
tec
execute0_lowered:
.L_overlay_start_1:
0x0: {  	(tag) =	ssettag $0x1  }
0x1: {  	s0 =	rddreg [dreg:$0x0]  }
0x2: {  	s1 =	rddreg [dreg:$0x1]  }
0x3: {  	s2 =	rddreg [dreg:$0x2]  }
0x4: {  	s3 =	simm.s32 $0x0;
	s4 =	srdreg.scid;
	s15 =	stileid.u32  }
0x5: {  	s28 =	simm.s32 $0x2;
	s29 =	simm.s32 $0x80;
	s30 =	simm.s32 $0x40  }
0x6: {  	s31 =	simm.s32 $0x3;
	[smem:$0x7FF] =	sst s3;
	s7 =	smul.u32 $0x3E800, s15  }
0x7: {  	s4 =	sand.u32 $0x1, s4;
	s5 =	sadd.s32 $0x1000, s0;
	s9 =	smul.u32 $0x7D000, s15  }
0x8: {  	s13 =	smul.u32 $0x270000, s15;
	s20 =	sadd.s32 $0x4E3000, s0;
	s24 =	sadd.s32 $0x4E00, s1  }
0x9: {  	s25 =	sadd.s32 $0x4E10, s1;
	p0 =	sgt.u32 s15, $0x9;
	p1 =	sne.s32 s15, $0x0  }
0xa: {  	_ =	strace $0x80000047;
	s6 =	sshll.u32 s4, $0xA;
	[dreg:$0xa] =	wrdreg s20  }
0xb: {  	s10 =	ssub.s32 $0x2, s4;
	s4 =	sshll.u32 s4, $0x7;
	[dreg:$0x5] =	wrdreg s24  }
0xc: {  	[dreg:$0x6] =	wrdreg s25;
	s24 =	simm.s32 $0x800;
	s25 =	simm.s32 $0x13A80  }
0xd: {  	s8 =	sor.u32 s6, s7;
	s7 =	smul.u32 $0x2700, s15;
	s12 =	sshrl.u32 s10, $0x1  }
0xe: {  	s9 =	sshrl.u32 s9, $0x2;
	s22 =	sor.u32 s6, s13;
	s4 =	sadd.s32 s4, s5  }
0xf: {  	s11 =	sshrl.u32 s8, $0x3;
	s14 =	ssub.s32 s10, s12;
	s9 =	sadd.s32 s9, s2  }
0x10: {  	s23 =	sshrl.u32 s22, $0x3;
	s26 =	sadd.s32 $0x4E0000, s4;
	s4 =	sadd.s32 $0x4E1000, s4  }
0x11: {  	s22 =	simm.s32 $0x13880;
	s8 =	simm.s32 $0x13900;
	s0 =	sadd.s32 s11, s0  }
0x12: {  	s21 =	sshrl.u32 s7, $0x3;
	s12 =	sadd.s32 s5, s23;
	[dreg:$0x7] =	wrdreg s26  }
.Ltmp0:
0x13: {  	[dreg:$0x8] =	wrdreg s4;
	s18 =	smax.u32 s14, $0x1;
	(pc) =	sbr.rel .LBB2_1-.Ltmp0, $4  }
0x14: {  	[dreg:$0x4] =	wrdreg s9;
	s20 =	sshrl.u32 @!p0 s9, $0x3;
	s23 =	simm.s32 $0x400  }
0x15: {  	s26 =	simm.s32 $0x1;
	s10 =	sadd.s32 s1, s21;
	s0 =	sadd.s32 $0x4E7000, s0  }
0x16: {  	s11 =	sadd.s32 $0x10, s10;
	[dreg:$0x9] =	wrdreg s0;
	s0 =	sshll.u32 @!p0 s15, $0x6  }
0x17: {  	s15 =	simm.s32 $0x0;
	s19 =	sor.u32 @!p0 $0x1C04, s0;
	s0 =	simm.s32 $0x4  }
.LBB2_6:
0x18: {  	s4 =	rddreg [dreg:$0x5];
	s9 =	simm.s32 $0x13880  }
0x19: {  	[tilespmem:s9], [sflag:$0x4] =	stream.linear.gather [hbm4b:s4+s3], $0x80, $0x38;
	[tilespmem:$0x1FA80] =	vst v63  }
0x1a: {  	_ =	swait.ge [sflag:s0], $0x80  }
0x1b: {  	[sflag:s0] =	ssyncset.done $0x0  }
0x1c: {  	s13 =	simm.s32 $0x13900;
	s17 =	rddreg [dreg:$0x6];
	[sflag:s0] =	ssyncadd.s32 $0xFFFFFF80  }
0x1d: {  	[tilespmem:s13], [sflag:$0x4] =	stream.linear.gather [hbm4b:s17+s3], $0x80, $0x38;
	[tilespmem:$0x1FA80] =	vst v63  }
0x1e: {  	_ =	swait.ge [sflag:s0], $0x80  }
0x1f: {  	[sflag:s0] =	ssyncset.done $0x0  }
0x20: {  	s21 =	rddreg [dreg:$0x7];
	[sflag:s0] =	ssyncadd.s32 $0xFFFFFF80  }
0x21: {  	[tilespmem:s25], [sflag:$0x4] =	stream.strided.gather [hbm4b:s21+s23], $0x4000, s24, s23, $0x38;
	[tilespmem:$0x1FA80] =	vst v63  }
0x22: {  	_ =	swait.ge [sflag:s0], $0x4000  }
0x23: {  	[sflag:s0] =	ssyncset.done $0x0  }
0x24: {  	s14 =	simm.s32 $0x19A80;
	s22 =	rddreg [dreg:$0x8];
	[sflag:s0] =	ssyncadd.s32 $0xFFFFC000  }
0x25: {  	[tilespmem:s14], [sflag:$0x4] =	stream.strided.gather [hbm4b:s22+s23], $0x4000, s24, s23, $0x38;
	[tilespmem:$0x1FA80] =	vst v63  }
0x26: {  	_ =	swait.ge [sflag:s0], $0x4000  }
0x27: {  	[sflag:s0] =	ssyncset.done $0x0  }
0x28: {  	[sflag:s0] =	ssyncadd.s32 $0xFFFFC000  }
0x29: {  	[spmem:s2] =	stream.indirect.scatter.add.f32 [tilespmem:s25], [sflag:$0x4], $0x80, s9, s29, $0xb8;
	[tilespmem:$0x1FA80] =	vst v63  }
0x2a: {  	_ =	swait.ge [sflag:s0], $0x4000  }
0x2b: {  	[sflag:s0] =	ssyncset.done $0x0  }
0x2c: {  	[sflag:s0] =	ssyncadd.s32 $0xFFFFC000  }
0x2d: {  	[spmem:s2] =	stream.indirect.scatter.add.f32 [tilespmem:s14], [sflag:$0x4], $0x80, s13, s29, $0xb8;
	[tilespmem:$0x1FA80] =	vst v63  }
0x2e: {  	_ =	swait.ge [sflag:s0], $0x4000  }
0x2f: {  	[sflag:s0] =	ssyncset.done $0x0  }
0x30: {  	[sflag:s0] =	ssyncadd.s32 $0xFFFFC000  }
0x31: {  	s8 =	simm.s32 $0x13900;
	s22 =	simm.s32 $0x13880;
	[bflag:$0x0] =	sbarrier.arrive $0xFFFF  }
.LBB2_8:
0x32: {  	s4 =	stileid.u32;
	s9 =	rddreg [dreg:$0x4]  }
0x33: {  	s13 =	rddreg [dreg:$0x9];
	s14 =	simm.s32 $0x8;
	s4 =	sshll.u32 s4, $0x6  }
0x34: {  	s16 =	simm.s32 $0x100;
	s9 =	sshrl.u32 s9, $0x3;
	s4 =	sor.u32 $0x1C04, s4  }
0x35: {  	[hbm:s13@s16], [sflag:s4] =	dma.strided [spmem:s9@s29], $0x3E80, s14, $0x10   }
0x36: {  	_ =	swait.ge [sflag:s0], $0x3E80  }
0x37: {  	[sflag:s0] =	ssyncset.done $0x0  }
0x38: {  	[sflag:s0] =	ssyncadd.s32 $0xFFFFC180  }
.LBB2_9:
0x39: {  	s15 =	sadd.s32 $0x1, s15  }
0x3a: {  	p2 =	sne.s32 s15, s18  }
.Ltmp1:
0x3b: {  	_ = 	snop;
	(pc) =	sbr.rel @!p2 .LBB2_10-.Ltmp1, $1  }
0x3c: {  	_ =	sdelay $0x3  }
.LBB2_1:
0x3d: {  	s4 =	rddreg [dreg:$0xa]  }
0x3e: {  	[spmem:s20], [sflag:s19] =	dma.local @!p0 [hbm:s4], $0x3E80  }
0x3f: {  	s4 =	simm.s32 @!p0 $0x4  }
0x40: {  	_ =	swait.ge @!p0 [sflag:s4], $0x3E80  }
0x41: {  	[sflag:s4] =	ssyncset.done @!p0 $0x0  }
0x42: {  	[sflag:s4] =	ssyncadd.s32 @!p0 $0xFFFFC180  }
0x43: {  	[bflag:$0x0] =	sbarrier.arrive $0xFFFF  }
0x44: {  	[tilespmem:s22], [sflag:$0x1] =	stream.linear.gather [hbm4b:s10+s3], $0x80, $0x38;
	[tilespmem:$0x1FA80] =	vst v63  }
.Ltmp2:
0x45: {  	_ = 	snop;
	(pc) =	sbr.rel .LBB2_2-.Ltmp2, $4  }
0x46: {  	_ = 	snop  }
0x47: {  	[tilespmem:s8], [sflag:$0x1] =	stream.linear.gather [hbm4b:s11+s3], $0x40, $0x38;
	[tilespmem:$0x1FA80] =	vst v63  }
0x48: {  	s16 =	simm.s32 $0x0  }
0x49: {  	[tilespmem:s25], [sflag:$0x2] =	stream.strided.gather [hbm4b:s12+s23], $0x6000, s24, s23, $0x38;
	[tilespmem:$0x1FA80] =	vst v63  }
.LBB2_4:
0x4a: {  	s9 =	smul.u32 $0x18000, s14  }
0x4b: {  	p2 =	slt.u32 s4, $0x34  }
.Ltmp3:
0x4c: {  	s13 =	sshll.u32 s14, $0x8;
	s9 =	sshrl.u32 s9, $0x2;
	(pc) =	sbr.rel @!p2 .LBB2_5-.Ltmp3, $4  }
0x4d: {  	s14 =	sor.u32 $0x13880, s13;
	s16 =	sadd.s32 $0x13A80, s9  }
0x4e: {  	[spmem:s2] =	stream.indirect.scatter.add.f32 [tilespmem:s16], [sflag:$0x3], $0x80, s14, s29, $0xb8;
	[tilespmem:$0x1FA80] =	vst v63  }
0x4f: {  	s13 =	sadd.s32 $0x13900, s13;
	s9 =	sadd.s32 $0x17A80, s9;
	s16 =	smov.u32 s4  }
0x50: {  	[spmem:s2] =	stream.indirect.scatter.add.f32 [tilespmem:s9], [sflag:$0x3], $0x80, s13, s30, $0xb8;
	[tilespmem:$0x1FA80] =	vst v63  }
.LBB2_2:
0x51: {  	_ =	swait.ge [sflag:s26], $0x80  }
0x52: {  	[sflag:s26] =	ssyncset.done $0x0  }
0x53: {  	[sflag:s26] =	ssyncadd.s32 $0xFFFFFF80  }
0x54: {  	_ =	swait.ge [sflag:s26], $0x40  }
0x55: {  	[sflag:s26] =	ssyncset.done $0x0  }
0x56: {  	[sflag:s26] =	ssyncadd.s32 $0xFFFFFFC0  }
0x57: {  	_ =	swait.ge [sflag:s28], $0x6000  }
0x58: {  	p2 =	seq.s32 s16, $0x0;
	[sflag:s28] =	ssyncset.done $0x0  }
0x59: {  	s4 =	simm.s32 @!p2 $0x3;
	p3 =	seq.s32 @!p2 s16, $0x33;
	[sflag:s28] =	ssyncadd.s32 $0xFFFFA000  }
0x5a: {  	p3 =	por p2, !p3;
	_ =	swait.ge @!p2 [sflag:s4], $0x4000  }
.Ltmp4:
0x5b: {  	[sflag:s4] =	ssyncset.done @!p2 $0x0;
	(pc) =	sbr.rel @!p3 .LBB2_4-.Ltmp4, $4  }
0x5c: {  	[sflag:s4] =	ssyncadd.s32 @!p2 $0xFFFFC000  }
0x5d: {  	_ =	swait.ge @!p2 [sflag:s4], $0x2000  }
0x5e: {  	[sflag:s4] =	ssyncset.done @!p2 $0x0  }
0x5f: {  	s14 =	sand.u32 $0x1, s16;
	[sflag:s4] =	ssyncadd.s32 @!p2 $0xFFFFE000;
	s4 =	simm.s32 @!p2 $0x34  }
0x60: {  	s4 =	sadd.s32 @!p2 $0x1, s16  }
0x61: {  	s4 =	simm.s32 @p2 $0x1  }
0x62: {  	s17 =	smul.u32 $0xC0, s4;
	_ =	sdelay $0x1  }
0x63: {  	s13 =	sxor.u32 $0x1, s14;
	s16 =	sadd.s32 s7, s17  }
0x64: {  	s9 =	sshll.u32 s13, $0x8;
	s17 =	sshrl.u32 s16, $0x3  }
0x65: {  	s21 =	sor.u32 $0x13880, s9;
	s17 =	sadd.s32 s1, s17  }
0x66: {  	[tilespmem:s21], [sflag:$0x1] =	stream.linear.gather [hbm4b:s17+s3], $0x80, $0x38;
	[tilespmem:$0x1FA80] =	vst v63  }
0x67: {  	s13 =	smul.u32 $0x18000, s13;
	s9 =	sadd.s32 $0x13900, s9;
	s17 =	sadd.s32 $0x10, s17  }
0x68: {  	[tilespmem:s9], [sflag:$0x1] =	stream.linear.gather [hbm4b:s17+s3], $0x40, $0x38;
	[tilespmem:$0x1FA80] =	vst v63  }
.Ltmp5:
0x69: {  	s21 =	sshll.u32 s16, $0x8;
	(pc) =	sbr.rel .LBB2_4-.Ltmp5, $4  }
0x6a: {  	s9 =	sor.u32 s6, s21  }
0x6b: {  	s13 =	sshrl.u32 s13, $0x2;
	s9 =	sshrl.u32 s9, $0x3  }
0x6c: {  	s13 =	sadd.s32 $0x13A80, s13;
	s9 =	sadd.s32 s5, s9  }
0x6d: {  	[tilespmem:s13], [sflag:$0x2] =	stream.strided.gather [hbm4b:s9+s23], $0x6000, s24, s23, $0x38;
	[tilespmem:$0x1FA80] =	vst v63  }
.LBB2_5:
0x6e: {  	_ =	swait.ge [sflag:s31], $0x4000  }
.Ltmp6:
0x6f: {  	[sflag:s31] =	ssyncset.done $0x0;
	(pc) =	sbr.rel @!p1 .LBB2_6-.Ltmp6, $4  }
0x70: {  	[sflag:s31] =	ssyncadd.s32 $0xFFFFC000  }
0x71: {  	_ =	swait.ge [sflag:s31], $0x2000  }
0x72: {  	[sflag:s31] =	ssyncset.done $0x0  }
0x73: {  	[sflag:s31] =	ssyncadd.s32 $0xFFFFE000  }
.Ltmp7:
0x74: {  	(pc) =	sbr.rel @p0 .LBB2_9-.Ltmp7, $4  }
.Ltmp8:
0x75: {  	(pc) =	sbr.rel @!p0 .LBB2_8-.Ltmp8, $4  }
0x76: {  	_ = 	snop  }
0x77: {  	[bflag:$0x0] =	sbarrier.arrive $0xFFFF  }
0x78: {  	_ = 	snop  }
0x79: {  	_ = 	snop  }
.LBB2_10:
0x7a: {  	_ =	sfence.sel $0x180000  }
0x7b: {  	[bflag:$0x0] =	sbarrier.arrive $0xFFFF  }
0x7c: {  	_ =	strace $0x90000047  }
0x7d: {  	[bflag:$0x2] =	sbarrier.arrive $0xFFFF  }
0x7e: {  	s0 =	rddreg [dreg:$0x3]  }
0x7f: {  	s0 =	sadd.s32 @!p1 $0x100000, s0  }
0x80: {  	[sflag:s0] =	ssyncadd.tile.s32 @!p1 $0x1;
	_ =	shalt  }
.Lfunc_end2:
_tile_overlayer_lowered:
.L_overlay_start_2:
0x81: {  	(tag) =	ssettag $0x2  }
0x82: {  	s0 =	rddreg [dreg:$0x0];
	s2 =	stileid.u32  }
0x83: {  	s1 =	rddreg [dreg:$0x1];
	p0 =	sne.s32 s2, $0x0  }
0x84: {  	s3 =	rddreg [dreg:$0x2];
	[bflag:$0x3] =	sbarrier.arrive $0xFFFF;
	s2 =	simm.s32 @!p0 $0x1C04  }
0x85: {  	[timem:s3], [sflag:s2] =	dma.local @!p0 [hbm:s0], s1  }
0x86: {  	s0 =	simm.s32 @!p0 $0x4  }
0x87: {  	_ =	swait.ge @!p0 [sflag:s0], s1  }
0x88: {  	s1 =	ssub.s32 @!p0 $0x0, s1;
	[sflag:s0] =	ssyncset.done @!p0 $0x0  }
0x89: {  	[sflag:s0] =	ssyncadd.s32 @!p0 s1  }
0x8a: {  	[bflag:$0x3] =	sbarrier.arrive $0xFFFF  }
0x8b: {  	_ =	shalt  }

</sc_bundles>
